<compile_context>
chip_gen: v7x
topology: tpu7x:2x2x1
jax: 0.10.2.dev20260603
libtpu: 0.0.44.dev20260713+nightly
codegen_flags: <defaults>
</compile_context>

<pallas_src>
import functools

import jax
import jax.numpy as jnp
from jax import lax
from jax.experimental import pallas as pl
from jax.experimental.pallas import tpu as pltpu
from jax.experimental.pallas import tpu_sc as plsc

_ENTITY_SIZE = 1000000
_EMBED_DIM = 64
_MARGIN = 1.0

_L = 16
_CHUNK = 128
_NG = _CHUNK // _L

_EPAD = _ENTITY_SIZE + 64
_NTILE = _EPAD // 128
_TROW = _NTILE * 1024
_FLAT = _EMBED_DIM * _EPAD


def _rsqrt_nr(x):
    i = lax.bitcast_convert_type(x, jnp.int32)
    y = lax.bitcast_convert_type(jnp.int32(0x5F3759DF) - (i >> 1), jnp.float32)
    for _ in range(3):
        y = y * (1.5 - 0.5 * x * y * y)
    return y


def _phys_view(table):
    return (jnp.pad(table, ((0, _EPAD - table.shape[0]), (0, 0))).T
            .reshape(8, 8, _NTILE, 128)
            .transpose(0, 2, 1, 3)
            .reshape(_FLAT))


def _transe_sc(hidx_all, ridx_all, tidx_all, ent_lin, rel_lin, batch):
    info = plsc.get_sparse_core_info()
    nw = info.num_cores * info.num_subcores
    per_w = batch // nw
    n_chunks = per_w // _CHUNK
    mesh = plsc.VectorSubcoreMesh(core_axis_name="c", subcore_axis_name="s")

    idx_buf = lambda: pltpu.VMEM((_CHUNK,), jnp.int32)
    gi_buf = lambda: pltpu.VMEM((_EMBED_DIM, _CHUNK), jnp.int32)
    val_buf = lambda: pltpu.VMEM((_EMBED_DIM, _CHUNK), jnp.float32)

    @functools.partial(
        pl.kernel,
        mesh=mesh,
        out_type=jax.ShapeDtypeStruct((batch,), jnp.float32),
        scratch_types=[
            [idx_buf(), idx_buf()],
            [idx_buf(), idx_buf()],
            [idx_buf(), idx_buf()],
            [gi_buf(), gi_buf()],
            [gi_buf(), gi_buf()],
            [gi_buf(), gi_buf()],
            [val_buf(), val_buf()],
            [val_buf(), val_buf()],
            [val_buf(), val_buf()],
            pltpu.VMEM((2 * per_w,), jnp.float32),
            pltpu.VMEM((per_w,), jnp.float32),
            [pltpu.SemaphoreType.DMA, pltpu.SemaphoreType.DMA],
        ],
    )
    def k(hidx_h, ridx_h, tidx_h, ent_h, rel_h, out_h,
          hidx_v, ridx_v, tidx_v, hgi_v, rgi_v, tgi_v,
          hval_v, rval_v, tval_v, dist_v, loss_v, sem):
        wid = lax.axis_index("s") * info.num_cores + lax.axis_index("c")
        wbase = wid * per_w

        def launch(c, buf):
            p = c // n_chunks
            cc = c - p * n_chunks
            src = p * batch + wbase + cc * _CHUNK
            pltpu.sync_copy(hidx_h.at[pl.ds(src, _CHUNK)], hidx_v[buf])
            pltpu.sync_copy(ridx_h.at[pl.ds(src, _CHUNK)], ridx_v[buf])
            pltpu.sync_copy(tidx_h.at[pl.ds(src, _CHUNK)], tidx_v[buf])

            def genf_body(f, carry):
                fc = (f >> 3) * _TROW + (f & 7) * 128

                def geng_body(g, carry2):
                    gb = g * _L
                    for src_v, dst_v in ((hidx_v, hgi_v), (ridx_v, rgi_v),
                                         (tidx_v, tgi_v)):
                        e = src_v[buf][pl.ds(gb, _L)]
                        base = ((e >> 7) << 10) + (e & 127)
                        dst_v[buf][f, pl.ds(gb, _L)] = base + fc
                    return carry2

                lax.fori_loop(0, _NG, geng_body, 0)
                pltpu.async_copy(ent_h.at[hgi_v[buf].at[f]],
                                 hval_v[buf].at[f], sem[buf])
                pltpu.async_copy(rel_h.at[rgi_v[buf].at[f]],
                                 rval_v[buf].at[f], sem[buf])
                pltpu.async_copy(ent_h.at[tgi_v[buf].at[f]],
                                 tval_v[buf].at[f], sem[buf])
                return carry

            lax.fori_loop(0, _EMBED_DIM, genf_body, 0)

        def drain(buf):
            def drain_body(f, carry):
                pltpu.make_async_copy(ent_h.at[hgi_v[buf].at[f]],
                                      hval_v[buf].at[f], sem[buf]).wait()
                pltpu.make_async_copy(rel_h.at[rgi_v[buf].at[f]],
                                      rval_v[buf].at[f], sem[buf]).wait()
                pltpu.make_async_copy(ent_h.at[tgi_v[buf].at[f]],
                                      tval_v[buf].at[f], sem[buf]).wait()
                return carry

            lax.fori_loop(0, _EMBED_DIM, drain_body, 0)

        def compute(c, buf):
            p = c // n_chunks
            cc = c - p * n_chunks
            dbase = p * per_w + cc * _CHUNK

            def group_body(g, carry2):
                gb = g * _L
                zl = jnp.zeros((_L,), jnp.float32)

                def acc_body(f, accs):
                    hh, tt, rr, hr, ht, rt = accs
                    h = hval_v[buf][f, pl.ds(gb, _L)]
                    r = rval_v[buf][f, pl.ds(gb, _L)]
                    t = tval_v[buf][f, pl.ds(gb, _L)]
                    return (hh + h * h, tt + t * t, rr + r * r,
                            hr + h * r, ht + h * t, rt + r * t)

                hh, tt, rr, hr, ht, rt = lax.fori_loop(
                    0, _EMBED_DIM, acc_body, (zl, zl, zl, zl, zl, zl))

                last = jnp.full((_L,), _ENTITY_SIZE - 1, jnp.int32)
                onef = jnp.ones((_L,), jnp.float32)
                eh = jnp.where(hidx_v[buf][pl.ds(gb, _L)] == last, onef, zl)
                et = jnp.where(tidx_v[buf][pl.ds(gb, _L)] == last, onef, zl)
                a = _rsqrt_nr(hh)
                a = a + eh * (1.0 - a)
                b = _rsqrt_nr(tt)
                b = b + et * (1.0 - b)
                d2 = hh * (a * a) + rr + tt * (b * b) \
                    + 2.0 * (a * hr - (a * b) * ht - b * rt)
                d2 = jnp.maximum(d2, 0.0)
                d = jnp.where(d2 > 0.0, d2 * _rsqrt_nr(d2), zl)
                dist_v[pl.ds(dbase + gb, _L)] = d
                return carry2

            lax.fori_loop(0, _NG, group_body, 0)

        launch(0, 0)

        def pair_body(cp, carry):
            for half in range(2):
                c = 2 * cp + half

                @pl.when(c + 1 < 2 * n_chunks)
                def _():
                    launch(c + 1, (half + 1) % 2)

                drain(half)
                compute(c, half)
            return carry

        lax.fori_loop(0, n_chunks, pair_body, 0)

        def loss_body(g, carry):
            gb = g * _L
            dp = dist_v[pl.ds(gb, _L)]
            dn = dist_v[pl.ds(per_w + gb, _L)]
            loss_v[pl.ds(gb, _L)] = jnp.maximum(dp - dn + _MARGIN, 0.0)
            return carry

        lax.fori_loop(0, per_w // _L, loss_body, 0)
        pltpu.sync_copy(loss_v, out_h.at[pl.ds(wbase, per_w)])

    return k(hidx_all, ridx_all, tidx_all, ent_lin, rel_lin)


def kernel(positive_triplets, negative_triplets, entity_emb, relation_emb):
    batch = positive_triplets.shape[0]
    cols = jnp.concatenate(
        [positive_triplets.astype(jnp.int32),
         negative_triplets.astype(jnp.int32)], axis=0).T
    return _transe_sc(cols[0], cols[1], cols[2],
                      _phys_view(entity_emb), _phys_view(relation_emb), batch)

# --- scband reference (transcript-rebuilt; emitter-appended) ---
"""Pipeline reference for scband-trans-e-86887188399003 (READ-ONLY COPY).

The authoritative reference and input builder live on the scoring server;
editing this copy changes nothing except your own understanding.
"""

import jax, jax.numpy as jnp
import numpy as np

ENTITY_SIZE = 1000000
RELATION_SIZE = 1000000
EMBED_DIM = 64
BATCH = 16384
MARGIN = 1.0


def _init_table(key, n_rows, d):
    bound = 6.0 / np.sqrt(d)
    w = jax.random.uniform(key, (n_rows, d), dtype=jnp.float32, minval=-bound, maxval=bound)
    # torch init: rows [:-1] divided by their L1 norm
    l1 = jnp.sum(jnp.abs(w[:-1]), axis=1, keepdims=True)
    return jnp.concatenate([w[:-1] / l1, w[-1:]], axis=0)


def setup_inputs(seed: int = 0) -> dict:
    key = jax.random.key(seed)
    k1, k2, k3, k4 = jax.random.split(key, 4)
    entity_emb = _init_table(k1, ENTITY_SIZE, EMBED_DIM)
    relation_emb = _init_table(k2, RELATION_SIZE, EMBED_DIM)
    positive_triplets = jax.random.randint(k3, (BATCH, 3), 0, ENTITY_SIZE, dtype=jnp.int64) if jax.config.jax_enable_x64 else jax.random.randint(k3, (BATCH, 3), 0, ENTITY_SIZE).astype(jnp.int32)
    negative_triplets = jax.random.randint(k4, (BATCH, 3), 0, ENTITY_SIZE, dtype=jnp.int64) if jax.config.jax_enable_x64 else jax.random.randint(k4, (BATCH, 3), 0, ENTITY_SIZE).astype(jnp.int32)
    return {
        "positive_triplets": positive_triplets,
        "negative_triplets": negative_triplets,
        "entity_emb": entity_emb,
        "relation_emb": relation_emb,
    }


def reference(positive_triplets, negative_triplets, entity_emb, relation_emb):
    # forward(): in-place L2 renorm of entity rows [:-1] (mirrors torch .data op)
    l2 = jnp.linalg.norm(entity_emb[:-1], ord=2, axis=1, keepdims=True)
    ent = jnp.concatenate([entity_emb[:-1] / l2, entity_emb[-1:]], axis=0)

    def distance(triplets):
        h = jnp.take(ent, triplets[:, 0], axis=0)
        r = jnp.take(relation_emb, triplets[:, 1], axis=0)
        t = jnp.take(ent, triplets[:, 2], axis=0)
        return jnp.linalg.norm(h + r - t, ord=2, axis=1)

    pos_d = distance(positive_triplets)
    neg_d = distance(negative_triplets)
    # MarginRankingLoss, target=-1, reduction='none':
    # loss = max(0, -y*(x1 - x2) + margin) = max(0, pos_d - neg_d + margin)
    return jnp.maximum(0.0, pos_d - neg_d + MARGIN)

if __name__ == "__main__":
    import jax
    _d = setup_inputs()
    print(jax.jit(kernel)(*tuple(_d.values())))

</pallas_src>

<mosaic_0001>
#map = affine_map<(d0, d1) -> (0)>
module attributes {stable_mosaic.version = 14 : i64} {
  func.func @k(%arg0: i32, %arg1: i32, %arg2: memref<32768xi32, #tpu.memory_space<hbm>>, %arg3: memref<32768xi32, #tpu.memory_space<hbm>>, %arg4: memref<32768xi32, #tpu.memory_space<hbm>>, %arg5: memref<64004096xf32, #tpu.memory_space<hbm>>, %arg6: memref<64004096xf32, #tpu.memory_space<hbm>>, %arg7: memref<16384xf32, #tpu.memory_space<hbm>>, %arg8: memref<128xi32, #tpu.memory_space<vmem>>, %arg9: memref<128xi32, #tpu.memory_space<vmem>>, %arg10: memref<128xi32, #tpu.memory_space<vmem>>, %arg11: memref<128xi32, #tpu.memory_space<vmem>>, %arg12: memref<128xi32, #tpu.memory_space<vmem>>, %arg13: memref<128xi32, #tpu.memory_space<vmem>>, %arg14: memref<64x128xi32, #tpu.memory_space<vmem>>, %arg15: memref<64x128xi32, #tpu.memory_space<vmem>>, %arg16: memref<64x128xi32, #tpu.memory_space<vmem>>, %arg17: memref<64x128xi32, #tpu.memory_space<vmem>>, %arg18: memref<64x128xi32, #tpu.memory_space<vmem>>, %arg19: memref<64x128xi32, #tpu.memory_space<vmem>>, %arg20: memref<64x128xf32, #tpu.memory_space<vmem>>, %arg21: memref<64x128xf32, #tpu.memory_space<vmem>>, %arg22: memref<64x128xf32, #tpu.memory_space<vmem>>, %arg23: memref<64x128xf32, #tpu.memory_space<vmem>>, %arg24: memref<64x128xf32, #tpu.memory_space<vmem>>, %arg25: memref<64x128xf32, #tpu.memory_space<vmem>>, %arg26: memref<1024xf32, #tpu.memory_space<vmem>>, %arg27: memref<512xf32, #tpu.memory_space<vmem>>, %arg28: memref<!tpu.dma_semaphore, #tpu.memory_space<semaphore_mem>>, %arg29: memref<!tpu.dma_semaphore, #tpu.memory_space<semaphore_mem>>) attributes {dimension_semantics = [#tpu.dimension_semantics<core_parallel>, #tpu.dimension_semantics<subcore_parallel>], iteration_bounds = array<i64: 2, 16>, scalar_prefetch = 0 : i64, scratch_operands = 22 : i64, tpu.core_type = #tpu.core_type<sc_vector_subcore>, window_params = [{transform_indices = #map}, {transform_indices = #map}, {transform_indices = #map}, {transform_indices = #map}, {transform_indices = #map}, {transform_indices = #map}]} {
    %mul3A = arith.constant 2 : i32
    %mul3A_0 = arith.muli %arg1, %mul3A : i32
    %add3A = arith.addi %mul3A_0, %arg0 : i32
    %mul3A_1 = arith.constant 512 : i32
    %mul3A_2 = arith.muli %add3A, %mul3A_1 : i32
    %add3A_3 = arith.constant 0 : i32
    %add3A_4 = arith.addi %add3A_3, %mul3A_2 : i32
    %add3A_5 = arith.constant 0 : i32
    %add3A_6 = arith.addi %add3A_4, %add3A_5 : i32
    "tpu.region"() ({
      %run_scoped3A = tpu.sem_alloc : memref<!tpu.dma_semaphore, #tpu.memory_space<semaphore_mem>>
      %dma_start3A = tpu.memref_slice %arg2[%add3A_6] : memref<32768xi32, #tpu.memory_space<hbm>> -> memref<128xi32, #tpu.memory_space<hbm>>
      %dma_start3A_24 = tpu.memref_slice %arg2[%add3A_6] : memref<32768xi32, #tpu.memory_space<hbm>> -> memref<128xi32, #tpu.memory_space<hbm>>
      tpu.enqueue_dma source(%dma_start3A_24 : memref<128xi32, #tpu.memory_space<hbm>>) target(%arg8 : memref<128xi32, #tpu.memory_space<vmem>>) target_semaphore(%run_scoped3A : memref<!tpu.dma_semaphore, #tpu.memory_space<semaphore_mem>>)
      %dma_wait3A = tpu.memref_slice %arg2[%add3A_6] : memref<32768xi32, #tpu.memory_space<hbm>> -> memref<128xi32, #tpu.memory_space<hbm>>
      %dma_wait3A_25 = tpu.memref_slice %arg2[%add3A_6] : memref<32768xi32, #tpu.memory_space<hbm>> -> memref<128xi32, #tpu.memory_space<hbm>>
      tpu.wait_dma2 semaphore(%run_scoped3A : memref<!tpu.dma_semaphore, #tpu.memory_space<semaphore_mem>>) src(%dma_wait3A_25 : memref<128xi32, #tpu.memory_space<hbm>>) dst(%arg8 : memref<128xi32, #tpu.memory_space<vmem>>)
      tpu.yield
    }) : () -> ()
    "tpu.region"() ({
      %run_scoped3A = tpu.sem_alloc : memref<!tpu.dma_semaphore, #tpu.memory_space<semaphore_mem>>
      %dma_start3A = tpu.memref_slice %arg3[%add3A_6] : memref<32768xi32, #tpu.memory_space<hbm>> -> memref<128xi32, #tpu.memory_space<hbm>>
      %dma_start3A_24 = tpu.memref_slice %arg3[%add3A_6] : memref<32768xi32, #tpu.memory_space<hbm>> -> memref<128xi32, #tpu.memory_space<hbm>>
      tpu.enqueue_dma source(%dma_start3A_24 : memref<128xi32, #tpu.memory_space<hbm>>) target(%arg10 : memref<128xi32, #tpu.memory_space<vmem>>) target_semaphore(%run_scoped3A : memref<!tpu.dma_semaphore, #tpu.memory_space<semaphore_mem>>)
      %dma_wait3A = tpu.memref_slice %arg3[%add3A_6] : memref<32768xi32, #tpu.memory_space<hbm>> -> memref<128xi32, #tpu.memory_space<hbm>>
      %dma_wait3A_25 = tpu.memref_slice %arg3[%add3A_6] : memref<32768xi32, #tpu.memory_space<hbm>> -> memref<128xi32, #tpu.memory_space<hbm>>
      tpu.wait_dma2 semaphore(%run_scoped3A : memref<!tpu.dma_semaphore, #tpu.memory_space<semaphore_mem>>) src(%dma_wait3A_25 : memref<128xi32, #tpu.memory_space<hbm>>) dst(%arg10 : memref<128xi32, #tpu.memory_space<vmem>>)
      tpu.yield
    }) : () -> ()
    "tpu.region"() ({
      %run_scoped3A = tpu.sem_alloc : memref<!tpu.dma_semaphore, #tpu.memory_space<semaphore_mem>>
      %dma_start3A = tpu.memref_slice %arg4[%add3A_6] : memref<32768xi32, #tpu.memory_space<hbm>> -> memref<128xi32, #tpu.memory_space<hbm>>
      %dma_start3A_24 = tpu.memref_slice %arg4[%add3A_6] : memref<32768xi32, #tpu.memory_space<hbm>> -> memref<128xi32, #tpu.memory_space<hbm>>
      tpu.enqueue_dma source(%dma_start3A_24 : memref<128xi32, #tpu.memory_space<hbm>>) target(%arg12 : memref<128xi32, #tpu.memory_space<vmem>>) target_semaphore(%run_scoped3A : memref<!tpu.dma_semaphore, #tpu.memory_space<semaphore_mem>>)
      %dma_wait3A = tpu.memref_slice %arg4[%add3A_6] : memref<32768xi32, #tpu.memory_space<hbm>> -> memref<128xi32, #tpu.memory_space<hbm>>
      %dma_wait3A_25 = tpu.memref_slice %arg4[%add3A_6] : memref<32768xi32, #tpu.memory_space<hbm>> -> memref<128xi32, #tpu.memory_space<hbm>>
      tpu.wait_dma2 semaphore(%run_scoped3A : memref<!tpu.dma_semaphore, #tpu.memory_space<semaphore_mem>>) src(%dma_wait3A_25 : memref<128xi32, #tpu.memory_space<hbm>>) dst(%arg12 : memref<128xi32, #tpu.memory_space<vmem>>)
      tpu.yield
    }) : () -> ()
    %scan3A = arith.constant 0 : i32
    %scan3A_7 = arith.constant 0 : i32
    %scan3A_8 = arith.constant 64 : i32
    %scan3A_9 = arith.addi %scan3A_7, %scan3A_8 : i32
    %scan3A_10 = arith.constant 1 : i32
    scf.for %scan3A_24 = %scan3A_7 to %scan3A_9 step %scan3A_10  : i32 {
      %shift_right_arithmetic3A = arith.constant 3 : i32
      %shift_right_arithmetic3A_25 = arith.shrsi %scan3A_24, %shift_right_arithmetic3A : i32
      %mul3A_26 = arith.constant 8000512 : i32
      %mul3A_27 = arith.muli %shift_right_arithmetic3A_25, %mul3A_26 : i32
      %and3A = arith.constant 7 : i32
      %and3A_28 = arith.andi %scan3A_24, %and3A : i32
      %mul3A_29 = arith.constant 128 : i32
      %mul3A_30 = arith.muli %and3A_28, %mul3A_29 : i32
      %add3A_31 = arith.addi %mul3A_27, %mul3A_30 : i32
      %scan3A_32 = arith.constant 0 : i32
      %scan3A_33 = arith.constant 0 : i32
      %scan3A_34 = arith.constant 8 : i32
      %scan3A_35 = arith.addi %scan3A_33, %scan3A_34 : i32
      %scan3A_36 = arith.constant 1 : i32
      scf.for %scan3A_61 = %scan3A_33 to %scan3A_35 step %scan3A_36  : i32 {
        %mul3A_62 = arith.constant 16 : i32
        %mul3A_63 = arith.muli %scan3A_61, %mul3A_62 : i32
        %get3A = arith.index_cast %mul3A_63 : i32 to index
        %get3A_64 = tpu.vector_load %arg8[%get3A] {strides = array<i32>} : memref<128xi32, #tpu.memory_space<vmem>>, vector<16xi32>,
        %get3A_65 = vector.shape_cast %get3A_64 : vector<16xi32> to vector<16xi32>
        %shift_right_arithmetic3A_66 = arith.constant 7 : i32
        %shift_right_arithmetic3A_67 = vector.broadcast %shift_right_arithmetic3A_66 : i32 to vector<16xi32>
        %shift_right_arithmetic3A_68 = arith.shrsi %get3A_65, %shift_right_arithmetic3A_67 : vector<16xi32>
        %shift_left3A = arith.constant 10 : i32
        %shift_left3A_69 = vector.broadcast %shift_left3A : i32 to vector<16xi32>
        %shift_left3A_70 = arith.shli %shift_right_arithmetic3A_68, %shift_left3A_69 : vector<16xi32>
        %and3A_71 = arith.constant 127 : i32
        %and3A_72 = vector.broadcast %and3A_71 : i32 to vector<16xi32>
        %and3A_73 = arith.andi %get3A_65, %and3A_72 : vector<16xi32>
        %add3A_74 = arith.addi %shift_left3A_70, %and3A_73 : vector<16xi32>
        %add3A_75 = vector.broadcast %add3A_31 : i32 to vector<16xi32>
        %add3A_76 = arith.addi %add3A_74, %add3A_75 : vector<16xi32>
        %swap3A = arith.index_cast %scan3A_24 : i32 to index
        %swap3A_77 = arith.index_cast %mul3A_63 : i32 to index
        %swap3A_78 = tpu.vector_load %arg14[%swap3A, %swap3A_77] {strides = array<i32>} : memref<64x128xi32, #tpu.memory_space<vmem>>, vector<1x16xi32>,
        %swap3A_79 = vector.shape_cast %swap3A_78 : vector<1x16xi32> to vector<16xi32>
        %swap3A_80 = vector.shape_cast %add3A_76 : vector<16xi32> to vector<1x16xi32>
        tpu.vector_store %arg14[%swap3A, %swap3A_77], %swap3A_80 {strides = array<i32>} : memref<64x128xi32, #tpu.memory_space<vmem>>, vector<1x16xi32>,
        %get3A_81 = arith.index_cast %mul3A_63 : i32 to index
        %get3A_82 = tpu.vector_load %arg10[%get3A_81] {strides = array<i32>} : memref<128xi32, #tpu.memory_space<vmem>>, vector<16xi32>,
        %get3A_83 = vector.shape_cast %get3A_82 : vector<16xi32> to vector<16xi32>
        %shift_right_arithmetic3A_84 = arith.constant 7 : i32
        %shift_right_arithmetic3A_85 = vector.broadcast %shift_right_arithmetic3A_84 : i32 to vector<16xi32>
        %shift_right_arithmetic3A_86 = arith.shrsi %get3A_83, %shift_right_arithmetic3A_85 : vector<16xi32>
        %shift_left3A_87 = arith.constant 10 : i32
        %shift_left3A_88 = vector.broadcast %shift_left3A_87 : i32 to vector<16xi32>
        %shift_left3A_89 = arith.shli %shift_right_arithmetic3A_86, %shift_left3A_88 : vector<16xi32>
        %and3A_90 = arith.constant 127 : i32
        %and3A_91 = vector.broadcast %and3A_90 : i32 to vector<16xi32>
        %and3A_92 = arith.andi %get3A_83, %and3A_91 : vector<16xi32>
        %add3A_93 = arith.addi %shift_left3A_89, %and3A_92 : vector<16xi32>
        %add3A_94 = vector.broadcast %add3A_31 : i32 to vector<16xi32>
        %add3A_95 = arith.addi %add3A_93, %add3A_94 : vector<16xi32>
        %swap3A_96 = arith.index_cast %scan3A_24 : i32 to index
        %swap3A_97 = arith.index_cast %mul3A_63 : i32 to index
        %swap3A_98 = tpu.vector_load %arg16[%swap3A_96, %swap3A_97] {strides = array<i32>} : memref<64x128xi32, #tpu.memory_space<vmem>>, vector<1x16xi32>,
        %swap3A_99 = vector.shape_cast %swap3A_98 : vector<1x16xi32> to vector<16xi32>
        %swap3A_100 = vector.shape_cast %add3A_95 : vector<16xi32> to vector<1x16xi32>
        tpu.vector_store %arg16[%swap3A_96, %swap3A_97], %swap3A_100 {strides = array<i32>} : memref<64x128xi32, #tpu.memory_space<vmem>>, vector<1x16xi32>,
        %get3A_101 = arith.index_cast %mul3A_63 : i32 to index
        %get3A_102 = tpu.vector_load %arg12[%get3A_101] {strides = array<i32>} : memref<128xi32, #tpu.memory_space<vmem>>, vector<16xi32>,
        %get3A_103 = vector.shape_cast %get3A_102 : vector<16xi32> to vector<16xi32>
        %shift_right_arithmetic3A_104 = arith.constant 7 : i32
        %shift_right_arithmetic3A_105 = vector.broadcast %shift_right_arithmetic3A_104 : i32 to vector<16xi32>
        %shift_right_arithmetic3A_106 = arith.shrsi %get3A_103, %shift_right_arithmetic3A_105 : vector<16xi32>
        %shift_left3A_107 = arith.constant 10 : i32
        %shift_left3A_108 = vector.broadcast %shift_left3A_107 : i32 to vector<16xi32>
        %shift_left3A_109 = arith.shli %shift_right_arithmetic3A_106, %shift_left3A_108 : vector<16xi32>
        %and3A_110 = arith.constant 127 : i32
        %and3A_111 = vector.broadcast %and3A_110 : i32 to vector<16xi32>
        %and3A_112 = arith.andi %get3A_103, %and3A_111 : vector<16xi32>
        %add3A_113 = arith.addi %shift_left3A_109, %and3A_112 : vector<16xi32>
        %add3A_114 = vector.broadcast %add3A_31 : i32 to vector<16xi32>
        %add3A_115 = arith.addi %add3A_113, %add3A_114 : vector<16xi32>
        %swap3A_116 = arith.index_cast %scan3A_24 : i32 to index
        %swap3A_117 = arith.index_cast %mul3A_63 : i32 to index
        %swap3A_118 = tpu.vector_load %arg18[%swap3A_116, %swap3A_117] {strides = array<i32>} : memref<64x128xi32, #tpu.memory_space<vmem>>, vector<1x16xi32>,
        %swap3A_119 = vector.shape_cast %swap3A_118 : vector<1x16xi32> to vector<16xi32>
        %swap3A_120 = vector.shape_cast %add3A_115 : vector<16xi32> to vector<1x16xi32>
        tpu.vector_store %arg18[%swap3A_116, %swap3A_117], %swap3A_120 {strides = array<i32>} : memref<64x128xi32, #tpu.memory_space<vmem>>, vector<1x16xi32>,
      }
      %scan3A_37 = arith.constant 8 : i32
      %dma_start3A = arith.constant 0 : i32
      %dma_start3A_38 = tpu.memref_slice %arg20[%scan3A_24, %dma_start3A] : memref<64x128xf32, #tpu.memory_space<vmem>> -> memref<1x128xf32, #tpu.memory_space<vmem>>
      %dma_start3A_39 = tpu.memref_squeeze %dma_start3A_38 : memref<1x128xf32, #tpu.memory_space<vmem>> -> memref<128xf32, #tpu.memory_space<vmem>>
      %dma_start3A_40 = arith.constant 0 : i32
      %dma_start3A_41 = tpu.memref_slice %arg14[%scan3A_24, %dma_start3A_40] : memref<64x128xi32, #tpu.memory_space<vmem>> -> memref<1x128xi32, #tpu.memory_space<vmem>>
      %dma_start3A_42 = tpu.memref_squeeze %dma_start3A_41 : memref<1x128xi32, #tpu.memory_space<vmem>> -> memref<128xi32, #tpu.memory_space<vmem>>
      %dma_start3A_43 = arith.constant 0 : i32
      %dma_start3A_44 = tpu.memref_slice %arg5[%dma_start3A_43] : memref<64004096xf32, #tpu.memory_space<hbm>> -> memref<64004096xf32, #tpu.memory_space<hbm>>
      tpu.enqueue_indirect_dma source(%dma_start3A_44 : memref<64004096xf32, #tpu.memory_space<hbm>>) target(%dma_start3A_39 : memref<128xf32, #tpu.memory_space<vmem>>) offsets(%dma_start3A_42 : memref<128xi32, #tpu.memory_space<vmem>>) semaphore(%arg28 : memref<!tpu.dma_semaphore, #tpu.memory_space<semaphore_mem>>)
      %dma_start3A_45 = arith.constant 0 : i32
      %dma_start3A_46 = tpu.memref_slice %arg22[%scan3A_24, %dma_start3A_45] : memref<64x128xf32, #tpu.memory_space<vmem>> -> memref<1x128xf32, #tpu.memory_space<vmem>>
      %dma_start3A_47 = tpu.memref_squeeze %dma_start3A_46 : memref<1x128xf32, #tpu.memory_space<vmem>> -> memref<128xf32, #tpu.memory_space<vmem>>
      %dma_start3A_48 = arith.constant 0 : i32
      %dma_start3A_49 = tpu.memref_slice %arg16[%scan3A_24, %dma_start3A_48] : memref<64x128xi32, #tpu.memory_space<vmem>> -> memref<1x128xi32, #tpu.memory_space<vmem>>
      %dma_start3A_50 = tpu.memref_squeeze %dma_start3A_49 : memref<1x128xi32, #tpu.memory_space<vmem>> -> memref<128xi32, #tpu.memory_space<vmem>>
      %dma_start3A_51 = arith.constant 0 : i32
      %dma_start3A_52 = tpu.memref_slice %arg6[%dma_start3A_51] : memref<64004096xf32, #tpu.memory_space<hbm>> -> memref<64004096xf32, #tpu.memory_space<hbm>>
      tpu.enqueue_indirect_dma source(%dma_start3A_52 : memref<64004096xf32, #tpu.memory_space<hbm>>) target(%dma_start3A_47 : memref<128xf32, #tpu.memory_space<vmem>>) offsets(%dma_start3A_50 : memref<128xi32, #tpu.memory_space<vmem>>) semaphore(%arg28 : memref<!tpu.dma_semaphore, #tpu.memory_space<semaphore_mem>>)
      %dma_start3A_53 = arith.constant 0 : i32
      %dma_start3A_54 = tpu.memref_slice %arg24[%scan3A_24, %dma_start3A_53] : memref<64x128xf32, #tpu.memory_space<vmem>> -> memref<1x128xf32, #tpu.memory_space<vmem>>
      %dma_start3A_55 = tpu.memref_squeeze %dma_start3A_54 : memref<1x128xf32, #tpu.memory_space<vmem>> -> memref<128xf32, #tpu.memory_space<vmem>>
      %dma_start3A_56 = arith.constant 0 : i32
      %dma_start3A_57 = tpu.memref_slice %arg18[%scan3A_24, %dma_start3A_56] : memref<64x128xi32, #tpu.memory_space<vmem>> -> memref<1x128xi32, #tpu.memory_space<vmem>>
      %dma_start3A_58 = tpu.memref_squeeze %dma_start3A_57 : memref<1x128xi32, #tpu.memory_space<vmem>> -> memref<128xi32, #tpu.memory_space<vmem>>
      %dma_start3A_59 = arith.constant 0 : i32
      %dma_start3A_60 = tpu.memref_slice %arg5[%dma_start3A_59] : memref<64004096xf32, #tpu.memory_space<hbm>> -> memref<64004096xf32, #tpu.memory_space<hbm>>
      tpu.enqueue_indirect_dma source(%dma_start3A_60 : memref<64004096xf32, #tpu.memory_space<hbm>>) target(%dma_start3A_55 : memref<128xf32, #tpu.memory_space<vmem>>) offsets(%dma_start3A_58 : memref<128xi32, #tpu.memory_space<vmem>>) semaphore(%arg28 : memref<!tpu.dma_semaphore, #tpu.memory_space<semaphore_mem>>)
    }
    %scan3A_11 = arith.constant 64 : i32
    %scan3A_12 = arith.constant 0 : i32
    %scan3A_13 = arith.constant 0 : i32
    %scan3A_14 = arith.constant 4 : i32
    %scan3A_15 = arith.addi %scan3A_13, %scan3A_14 : i32
    %scan3A_16 = arith.constant 1 : i32
    scf.for %scan3A_24 = %scan3A_13 to %scan3A_15 step %scan3A_16  : i32 {
      %mul3A_25 = arith.constant 2 : i32
      %mul3A_26 = arith.muli %mul3A_25, %scan3A_24 : i32
      %add3A_27 = arith.constant 0 : i32
      %add3A_28 = arith.addi %mul3A_26, %add3A_27 : i32
      %add3A_29 = arith.constant 1 : i32
      %add3A_30 = arith.addi %add3A_28, %add3A_29 : i32
      %lt3A = arith.constant 8 : i32
      %lt3A_31 = arith.cmpi slt, %add3A_30, %lt3A : i32
      %convert_element_type3A = arith.extui %lt3A_31 : i1 to i32
      %cond3A = arith.constant 0 : i32
      %cond3A_32 = arith.cmpi ne, %convert_element_type3A, %cond3A : i32
      scf.if %cond3A_32 {
        %add3A_124 = arith.constant 1 : i32
        %add3A_125 = arith.addi %add3A_28, %add3A_124 : i32
        %jit3A_126 = arith.constant 4 : i32
        %div3A_127 = arith.divsi %add3A_125, %jit3A_126 : i32
        %sign3A_128 = arith.constant 0 : i32
        %sign3A_129 = arith.cmpi sgt, %add3A_125, %sign3A_128 : i32
        %sign3A_130 = arith.extui %sign3A_129 : i1 to i32
        %sign3A_131 = arith.constant 0 : i32
        %sign3A_132 = arith.cmpi slt, %add3A_125, %sign3A_131 : i32
        %sign3A_133 = arith.extui %sign3A_132 : i1 to i32
        %sign3A_134 = arith.subi %sign3A_130, %sign3A_133 : i32
        %sign3A_135 = arith.constant 0 : i32
        %sign3A_136 = arith.cmpi sgt, %jit3A_126, %sign3A_135 : i32
        %sign3A_137 = arith.extui %sign3A_136 : i1 to i32
        %sign3A_138 = arith.constant 0 : i32
        %sign3A_139 = arith.cmpi slt, %jit3A_126, %sign3A_138 : i32
        %sign3A_140 = arith.extui %sign3A_139 : i1 to i32
        %sign3A_141 = arith.subi %sign3A_137, %sign3A_140 : i32
        %ne3A_142 = arith.cmpi ne, %sign3A_134, %sign3A_141 : i32
        %rem3A_143 = arith.remsi %add3A_125, %jit3A_126 : i32
        %ne3A_144 = arith.constant 0 : i32
        %ne3A_145 = arith.cmpi ne, %rem3A_143, %ne3A_144 : i32
        %and3A_146 = arith.andi %ne3A_142, %ne3A_145 : i1
        %sub3A_147 = arith.constant 1 : i32
        %sub3A_148 = arith.subi %div3A_127, %sub3A_147 : i32
        %select_n3A_149 = arith.select %and3A_146, %sub3A_148, %div3A_127 : i32
        %mul3A_150 = arith.constant 4 : i32
        %mul3A_151 = arith.muli %select_n3A_149, %mul3A_150 : i32
        %sub3A_152 = arith.subi %add3A_125, %mul3A_151 : i32
        %mul3A_153 = arith.constant 16384 : i32
        %mul3A_154 = arith.muli %select_n3A_149, %mul3A_153 : i32
        %add3A_155 = arith.addi %mul3A_154, %mul3A_2 : i32
        %mul3A_156 = arith.constant 128 : i32
        %mul3A_157 = arith.muli %sub3A_152, %mul3A_156 : i32
        %add3A_158 = arith.addi %add3A_155, %mul3A_157 : i32
        "tpu.region"() ({
          %run_scoped3A = tpu.sem_alloc : memref<!tpu.dma_semaphore, #tpu.memory_space<semaphore_mem>>
          %dma_start3A = tpu.memref_slice %arg2[%add3A_158] : memref<32768xi32, #tpu.memory_space<hbm>> -> memref<128xi32, #tpu.memory_space<hbm>>
          %dma_start3A_165 = tpu.memref_slice %arg2[%add3A_158] : memref<32768xi32, #tpu.memory_space<hbm>> -> memref<128xi32, #tpu.memory_space<hbm>>
          tpu.enqueue_dma source(%dma_start3A_165 : memref<128xi32, #tpu.memory_space<hbm>>) target(%arg9 : memref<128xi32, #tpu.memory_space<vmem>>) target_semaphore(%run_scoped3A : memref<!tpu.dma_semaphore, #tpu.memory_space<semaphore_mem>>)
          %dma_wait3A = tpu.memref_slice %arg2[%add3A_158] : memref<32768xi32, #tpu.memory_space<hbm>> -> memref<128xi32, #tpu.memory_space<hbm>>
          %dma_wait3A_166 = tpu.memref_slice %arg2[%add3A_158] : memref<32768xi32, #tpu.memory_space<hbm>> -> memref<128xi32, #tpu.memory_space<hbm>>
          tpu.wait_dma2 semaphore(%run_scoped3A : memref<!tpu.dma_semaphore, #tpu.memory_space<semaphore_mem>>) src(%dma_wait3A_166 : memref<128xi32, #tpu.memory_space<hbm>>) dst(%arg9 : memref<128xi32, #tpu.memory_space<vmem>>)
          tpu.yield
        }) : () -> ()
        "tpu.region"() ({
          %run_scoped3A = tpu.sem_alloc : memref<!tpu.dma_semaphore, #tpu.memory_space<semaphore_mem>>
          %dma_start3A = tpu.memref_slice %arg3[%add3A_158] : memref<32768xi32, #tpu.memory_space<hbm>> -> memref<128xi32, #tpu.memory_space<hbm>>
          %dma_start3A_165 = tpu.memref_slice %arg3[%add3A_158] : memref<32768xi32, #tpu.memory_space<hbm>> -> memref<128xi32, #tpu.memory_space<hbm>>
          tpu.enqueue_dma source(%dma_start3A_165 : memref<128xi32, #tpu.memory_space<hbm>>) target(%arg11 : memref<128xi32, #tpu.memory_space<vmem>>) target_semaphore(%run_scoped3A : memref<!tpu.dma_semaphore, #tpu.memory_space<semaphore_mem>>)
          %dma_wait3A = tpu.memref_slice %arg3[%add3A_158] : memref<32768xi32, #tpu.memory_space<hbm>> -> memref<128xi32, #tpu.memory_space<hbm>>
          %dma_wait3A_166 = tpu.memref_slice %arg3[%add3A_158] : memref<32768xi32, #tpu.memory_space<hbm>> -> memref<128xi32, #tpu.memory_space<hbm>>
          tpu.wait_dma2 semaphore(%run_scoped3A : memref<!tpu.dma_semaphore, #tpu.memory_space<semaphore_mem>>) src(%dma_wait3A_166 : memref<128xi32, #tpu.memory_space<hbm>>) dst(%arg11 : memref<128xi32, #tpu.memory_space<vmem>>)
          tpu.yield
        }) : () -> ()
        "tpu.region"() ({
          %run_scoped3A = tpu.sem_alloc : memref<!tpu.dma_semaphore, #tpu.memory_space<semaphore_mem>>
          %dma_start3A = tpu.memref_slice %arg4[%add3A_158] : memref<32768xi32, #tpu.memory_space<hbm>> -> memref<128xi32, #tpu.memory_space<hbm>>
          %dma_start3A_165 = tpu.memref_slice %arg4[%add3A_158] : memref<32768xi32, #tpu.memory_space<hbm>> -> memref<128xi32, #tpu.memory_space<hbm>>
          tpu.enqueue_dma source(%dma_start3A_165 : memref<128xi32, #tpu.memory_space<hbm>>) target(%arg13 : memref<128xi32, #tpu.memory_space<vmem>>) target_semaphore(%run_scoped3A : memref<!tpu.dma_semaphore, #tpu.memory_space<semaphore_mem>>)
          %dma_wait3A = tpu.memref_slice %arg4[%add3A_158] : memref<32768xi32, #tpu.memory_space<hbm>> -> memref<128xi32, #tpu.memory_space<hbm>>
          %dma_wait3A_166 = tpu.memref_slice %arg4[%add3A_158] : memref<32768xi32, #tpu.memory_space<hbm>> -> memref<128xi32, #tpu.memory_space<hbm>>
          tpu.wait_dma2 semaphore(%run_scoped3A : memref<!tpu.dma_semaphore, #tpu.memory_space<semaphore_mem>>) src(%dma_wait3A_166 : memref<128xi32, #tpu.memory_space<hbm>>) dst(%arg13 : memref<128xi32, #tpu.memory_space<vmem>>)
          tpu.yield
        }) : () -> ()
        %scan3A_159 = arith.constant 0 : i32
        %scan3A_160 = arith.constant 0 : i32
        %scan3A_161 = arith.constant 64 : i32
        %scan3A_162 = arith.addi %scan3A_160, %scan3A_161 : i32
        %scan3A_163 = arith.constant 1 : i32
        scf.for %scan3A_165 = %scan3A_160 to %scan3A_162 step %scan3A_163  : i32 {
          %shift_right_arithmetic3A = arith.constant 3 : i32
          %shift_right_arithmetic3A_166 = arith.shrsi %scan3A_165, %shift_right_arithmetic3A : i32
          %mul3A_167 = arith.constant 8000512 : i32
          %mul3A_168 = arith.muli %shift_right_arithmetic3A_166, %mul3A_167 : i32
          %and3A_169 = arith.constant 7 : i32
          %and3A_170 = arith.andi %scan3A_165, %and3A_169 : i32
          %mul3A_171 = arith.constant 128 : i32
          %mul3A_172 = arith.muli %and3A_170, %mul3A_171 : i32
          %add3A_173 = arith.addi %mul3A_168, %mul3A_172 : i32
          %scan3A_174 = arith.constant 0 : i32
          %scan3A_175 = arith.constant 0 : i32
          %scan3A_176 = arith.constant 8 : i32
          %scan3A_177 = arith.addi %scan3A_175, %scan3A_176 : i32
          %scan3A_178 = arith.constant 1 : i32
          scf.for %scan3A_203 = %scan3A_175 to %scan3A_177 step %scan3A_178  : i32 {
            %mul3A_204 = arith.constant 16 : i32
            %mul3A_205 = arith.muli %scan3A_203, %mul3A_204 : i32
            %get3A = arith.index_cast %mul3A_205 : i32 to index
            %get3A_206 = tpu.vector_load %arg9[%get3A] {strides = array<i32>} : memref<128xi32, #tpu.memory_space<vmem>>, vector<16xi32>,
            %get3A_207 = vector.shape_cast %get3A_206 : vector<16xi32> to vector<16xi32>
            %shift_right_arithmetic3A_208 = arith.constant 7 : i32
            %shift_right_arithmetic3A_209 = vector.broadcast %shift_right_arithmetic3A_208 : i32 to vector<16xi32>
            %shift_right_arithmetic3A_210 = arith.shrsi %get3A_207, %shift_right_arithmetic3A_209 : vector<16xi32>
            %shift_left3A = arith.constant 10 : i32
            %shift_left3A_211 = vector.broadcast %shift_left3A : i32 to vector<16xi32>
            %shift_left3A_212 = arith.shli %shift_right_arithmetic3A_210, %shift_left3A_211 : vector<16xi32>
            %and3A_213 = arith.constant 127 : i32
            %and3A_214 = vector.broadcast %and3A_213 : i32 to vector<16xi32>
            %and3A_215 = arith.andi %get3A_207, %and3A_214 : vector<16xi32>
            %add3A_216 = arith.addi %shift_left3A_212, %and3A_215 : vector<16xi32>
            %add3A_217 = vector.broadcast %add3A_173 : i32 to vector<16xi32>
            %add3A_218 = arith.addi %add3A_216, %add3A_217 : vector<16xi32>
            %swap3A = arith.index_cast %scan3A_165 : i32 to index
            %swap3A_219 = arith.index_cast %mul3A_205 : i32 to index
            %swap3A_220 = tpu.vector_load %arg15[%swap3A, %swap3A_219] {strides = array<i32>} : memref<64x128xi32, #tpu.memory_space<vmem>>, vector<1x16xi32>,
            %swap3A_221 = vector.shape_cast %swap3A_220 : vector<1x16xi32> to vector<16xi32>
            %swap3A_222 = vector.shape_cast %add3A_218 : vector<16xi32> to vector<1x16xi32>
            tpu.vector_store %arg15[%swap3A, %swap3A_219], %swap3A_222 {strides = array<i32>} : memref<64x128xi32, #tpu.memory_space<vmem>>, vector<1x16xi32>,
            %get3A_223 = arith.index_cast %mul3A_205 : i32 to index
            %get3A_224 = tpu.vector_load %arg11[%get3A_223] {strides = array<i32>} : memref<128xi32, #tpu.memory_space<vmem>>, vector<16xi32>,
            %get3A_225 = vector.shape_cast %get3A_224 : vector<16xi32> to vector<16xi32>
            %shift_right_arithmetic3A_226 = arith.constant 7 : i32
            %shift_right_arithmetic3A_227 = vector.broadcast %shift_right_arithmetic3A_226 : i32 to vector<16xi32>
            %shift_right_arithmetic3A_228 = arith.shrsi %get3A_225, %shift_right_arithmetic3A_227 : vector<16xi32>
            %shift_left3A_229 = arith.constant 10 : i32
            %shift_left3A_230 = vector.broadcast %shift_left3A_229 : i32 to vector<16xi32>
            %shift_left3A_231 = arith.shli %shift_right_arithmetic3A_228, %shift_left3A_230 : vector<16xi32>
            %and3A_232 = arith.constant 127 : i32
            %and3A_233 = vector.broadcast %and3A_232 : i32 to vector<16xi32>
            %and3A_234 = arith.andi %get3A_225, %and3A_233 : vector<16xi32>
            %add3A_235 = arith.addi %shift_left3A_231, %and3A_234 : vector<16xi32>
            %add3A_236 = vector.broadcast %add3A_173 : i32 to vector<16xi32>
            %add3A_237 = arith.addi %add3A_235, %add3A_236 : vector<16xi32>
            %swap3A_238 = arith.index_cast %scan3A_165 : i32 to index
            %swap3A_239 = arith.index_cast %mul3A_205 : i32 to index
            %swap3A_240 = tpu.vector_load %arg17[%swap3A_238, %swap3A_239] {strides = array<i32>} : memref<64x128xi32, #tpu.memory_space<vmem>>, vector<1x16xi32>,
            %swap3A_241 = vector.shape_cast %swap3A_240 : vector<1x16xi32> to vector<16xi32>
            %swap3A_242 = vector.shape_cast %add3A_237 : vector<16xi32> to vector<1x16xi32>
            tpu.vector_store %arg17[%swap3A_238, %swap3A_239], %swap3A_242 {strides = array<i32>} : memref<64x128xi32, #tpu.memory_space<vmem>>, vector<1x16xi32>,
            %get3A_243 = arith.index_cast %mul3A_205 : i32 to index
            %get3A_244 = tpu.vector_load %arg13[%get3A_243] {strides = array<i32>} : memref<128xi32, #tpu.memory_space<vmem>>, vector<16xi32>,
            %get3A_245 = vector.shape_cast %get3A_244 : vector<16xi32> to vector<16xi32>
            %shift_right_arithmetic3A_246 = arith.constant 7 : i32
            %shift_right_arithmetic3A_247 = vector.broadcast %shift_right_arithmetic3A_246 : i32 to vector<16xi32>
            %shift_right_arithmetic3A_248 = arith.shrsi %get3A_245, %shift_right_arithmetic3A_247 : vector<16xi32>
            %shift_left3A_249 = arith.constant 10 : i32
            %shift_left3A_250 = vector.broadcast %shift_left3A_249 : i32 to vector<16xi32>
            %shift_left3A_251 = arith.shli %shift_right_arithmetic3A_248, %shift_left3A_250 : vector<16xi32>
            %and3A_252 = arith.constant 127 : i32
            %and3A_253 = vector.broadcast %and3A_252 : i32 to vector<16xi32>
            %and3A_254 = arith.andi %get3A_245, %and3A_253 : vector<16xi32>
            %add3A_255 = arith.addi %shift_left3A_251, %and3A_254 : vector<16xi32>
            %add3A_256 = vector.broadcast %add3A_173 : i32 to vector<16xi32>
            %add3A_257 = arith.addi %add3A_255, %add3A_256 : vector<16xi32>
            %swap3A_258 = arith.index_cast %scan3A_165 : i32 to index
            %swap3A_259 = arith.index_cast %mul3A_205 : i32 to index
            %swap3A_260 = tpu.vector_load %arg19[%swap3A_258, %swap3A_259] {strides = array<i32>} : memref<64x128xi32, #tpu.memory_space<vmem>>, vector<1x16xi32>,
            %swap3A_261 = vector.shape_cast %swap3A_260 : vector<1x16xi32> to vector<16xi32>
            %swap3A_262 = vector.shape_cast %add3A_257 : vector<16xi32> to vector<1x16xi32>
            tpu.vector_store %arg19[%swap3A_258, %swap3A_259], %swap3A_262 {strides = array<i32>} : memref<64x128xi32, #tpu.memory_space<vmem>>, vector<1x16xi32>,
          }
          %scan3A_179 = arith.constant 8 : i32
          %dma_start3A = arith.constant 0 : i32
          %dma_start3A_180 = tpu.memref_slice %arg21[%scan3A_165, %dma_start3A] : memref<64x128xf32, #tpu.memory_space<vmem>> -> memref<1x128xf32, #tpu.memory_space<vmem>>
          %dma_start3A_181 = tpu.memref_squeeze %dma_start3A_180 : memref<1x128xf32, #tpu.memory_space<vmem>> -> memref<128xf32, #tpu.memory_space<vmem>>
          %dma_start3A_182 = arith.constant 0 : i32
          %dma_start3A_183 = tpu.memref_slice %arg15[%scan3A_165, %dma_start3A_182] : memref<64x128xi32, #tpu.memory_space<vmem>> -> memref<1x128xi32, #tpu.memory_space<vmem>>
          %dma_start3A_184 = tpu.memref_squeeze %dma_start3A_183 : memref<1x128xi32, #tpu.memory_space<vmem>> -> memref<128xi32, #tpu.memory_space<vmem>>
          %dma_start3A_185 = arith.constant 0 : i32
          %dma_start3A_186 = tpu.memref_slice %arg5[%dma_start3A_185] : memref<64004096xf32, #tpu.memory_space<hbm>> -> memref<64004096xf32, #tpu.memory_space<hbm>>
          tpu.enqueue_indirect_dma source(%dma_start3A_186 : memref<64004096xf32, #tpu.memory_space<hbm>>) target(%dma_start3A_181 : memref<128xf32, #tpu.memory_space<vmem>>) offsets(%dma_start3A_184 : memref<128xi32, #tpu.memory_space<vmem>>) semaphore(%arg29 : memref<!tpu.dma_semaphore, #tpu.memory_space<semaphore_mem>>)
          %dma_start3A_187 = arith.constant 0 : i32
          %dma_start3A_188 = tpu.memref_slice %arg23[%scan3A_165, %dma_start3A_187] : memref<64x128xf32, #tpu.memory_space<vmem>> -> memref<1x128xf32, #tpu.memory_space<vmem>>
          %dma_start3A_189 = tpu.memref_squeeze %dma_start3A_188 : memref<1x128xf32, #tpu.memory_space<vmem>> -> memref<128xf32, #tpu.memory_space<vmem>>
          %dma_start3A_190 = arith.constant 0 : i32
          %dma_start3A_191 = tpu.memref_slice %arg17[%scan3A_165, %dma_start3A_190] : memref<64x128xi32, #tpu.memory_space<vmem>> -> memref<1x128xi32, #tpu.memory_space<vmem>>
          %dma_start3A_192 = tpu.memref_squeeze %dma_start3A_191 : memref<1x128xi32, #tpu.memory_space<vmem>> -> memref<128xi32, #tpu.memory_space<vmem>>
          %dma_start3A_193 = arith.constant 0 : i32
          %dma_start3A_194 = tpu.memref_slice %arg6[%dma_start3A_193] : memref<64004096xf32, #tpu.memory_space<hbm>> -> memref<64004096xf32, #tpu.memory_space<hbm>>
          tpu.enqueue_indirect_dma source(%dma_start3A_194 : memref<64004096xf32, #tpu.memory_space<hbm>>) target(%dma_start3A_189 : memref<128xf32, #tpu.memory_space<vmem>>) offsets(%dma_start3A_192 : memref<128xi32, #tpu.memory_space<vmem>>) semaphore(%arg29 : memref<!tpu.dma_semaphore, #tpu.memory_space<semaphore_mem>>)
          %dma_start3A_195 = arith.constant 0 : i32
          %dma_start3A_196 = tpu.memref_slice %arg25[%scan3A_165, %dma_start3A_195] : memref<64x128xf32, #tpu.memory_space<vmem>> -> memref<1x128xf32, #tpu.memory_space<vmem>>
          %dma_start3A_197 = tpu.memref_squeeze %dma_start3A_196 : memref<1x128xf32, #tpu.memory_space<vmem>> -> memref<128xf32, #tpu.memory_space<vmem>>
          %dma_start3A_198 = arith.constant 0 : i32
          %dma_start3A_199 = tpu.memref_slice %arg19[%scan3A_165, %dma_start3A_198] : memref<64x128xi32, #tpu.memory_space<vmem>> -> memref<1x128xi32, #tpu.memory_space<vmem>>
          %dma_start3A_200 = tpu.memref_squeeze %dma_start3A_199 : memref<1x128xi32, #tpu.memory_space<vmem>> -> memref<128xi32, #tpu.memory_space<vmem>>
          %dma_start3A_201 = arith.constant 0 : i32
          %dma_start3A_202 = tpu.memref_slice %arg5[%dma_start3A_201] : memref<64004096xf32, #tpu.memory_space<hbm>> -> memref<64004096xf32, #tpu.memory_space<hbm>>
          tpu.enqueue_indirect_dma source(%dma_start3A_202 : memref<64004096xf32, #tpu.memory_space<hbm>>) target(%dma_start3A_197 : memref<128xf32, #tpu.memory_space<vmem>>) offsets(%dma_start3A_200 : memref<128xi32, #tpu.memory_space<vmem>>) semaphore(%arg29 : memref<!tpu.dma_semaphore, #tpu.memory_space<semaphore_mem>>)
        }
        %scan3A_164 = arith.constant 64 : i32
      } else {
      }
      %scan3A_33 = arith.constant 0 : i32
      %scan3A_34 = arith.constant 0 : i32
      %scan3A_35 = arith.constant 64 : i32
      %scan3A_36 = arith.addi %scan3A_34, %scan3A_35 : i32
      %scan3A_37 = arith.constant 1 : i32
      scf.for %scan3A_124 = %scan3A_34 to %scan3A_36 step %scan3A_37  : i32 {
        %dma_wait3A = arith.constant 0 : i32
        %dma_wait3A_125 = tpu.memref_slice %arg20[%scan3A_124, %dma_wait3A] : memref<64x128xf32, #tpu.memory_space<vmem>> -> memref<1x128xf32, #tpu.memory_space<vmem>>
        %dma_wait3A_126 = tpu.memref_squeeze %dma_wait3A_125 : memref<1x128xf32, #tpu.memory_space<vmem>> -> memref<128xf32, #tpu.memory_space<vmem>>
        %dma_wait3A_127 = arith.constant 0 : i32
        %dma_wait3A_128 = tpu.memref_slice %arg14[%scan3A_124, %dma_wait3A_127] : memref<64x128xi32, #tpu.memory_space<vmem>> -> memref<1x128xi32, #tpu.memory_space<vmem>>
        %dma_wait3A_129 = tpu.memref_squeeze %dma_wait3A_128 : memref<1x128xi32, #tpu.memory_space<vmem>> -> memref<128xi32, #tpu.memory_space<vmem>>
        %dma_wait3A_130 = arith.constant 0 : i32
        %dma_wait3A_131 = tpu.memref_slice %arg5[%dma_wait3A_130] : memref<64004096xf32, #tpu.memory_space<hbm>> -> memref<64004096xf32, #tpu.memory_space<hbm>>
        tpu.wait_indirect_dma semaphore(%arg28 : memref<!tpu.dma_semaphore, #tpu.memory_space<semaphore_mem>>) src(%dma_wait3A_131 : memref<64004096xf32, #tpu.memory_space<hbm>>) dst(%dma_wait3A_126 : memref<128xf32, #tpu.memory_space<vmem>>)
        %dma_wait3A_132 = arith.constant 0 : i32
        %dma_wait3A_133 = tpu.memref_slice %arg22[%scan3A_124, %dma_wait3A_132] : memref<64x128xf32, #tpu.memory_space<vmem>> -> memref<1x128xf32, #tpu.memory_space<vmem>>
        %dma_wait3A_134 = tpu.memref_squeeze %dma_wait3A_133 : memref<1x128xf32, #tpu.memory_space<vmem>> -> memref<128xf32, #tpu.memory_space<vmem>>
        %dma_wait3A_135 = arith.constant 0 : i32
        %dma_wait3A_136 = tpu.memref_slice %arg16[%scan3A_124, %dma_wait3A_135] : memref<64x128xi32, #tpu.memory_space<vmem>> -> memref<1x128xi32, #tpu.memory_space<vmem>>
        %dma_wait3A_137 = tpu.memref_squeeze %dma_wait3A_136 : memref<1x128xi32, #tpu.memory_space<vmem>> -> memref<128xi32, #tpu.memory_space<vmem>>
        %dma_wait3A_138 = arith.constant 0 : i32
        %dma_wait3A_139 = tpu.memref_slice %arg6[%dma_wait3A_138] : memref<64004096xf32, #tpu.memory_space<hbm>> -> memref<64004096xf32, #tpu.memory_space<hbm>>
        tpu.wait_indirect_dma semaphore(%arg28 : memref<!tpu.dma_semaphore, #tpu.memory_space<semaphore_mem>>) src(%dma_wait3A_139 : memref<64004096xf32, #tpu.memory_space<hbm>>) dst(%dma_wait3A_134 : memref<128xf32, #tpu.memory_space<vmem>>)
        %dma_wait3A_140 = arith.constant 0 : i32
        %dma_wait3A_141 = tpu.memref_slice %arg24[%scan3A_124, %dma_wait3A_140] : memref<64x128xf32, #tpu.memory_space<vmem>> -> memref<1x128xf32, #tpu.memory_space<vmem>>
        %dma_wait3A_142 = tpu.memref_squeeze %dma_wait3A_141 : memref<1x128xf32, #tpu.memory_space<vmem>> -> memref<128xf32, #tpu.memory_space<vmem>>
        %dma_wait3A_143 = arith.constant 0 : i32
        %dma_wait3A_144 = tpu.memref_slice %arg18[%scan3A_124, %dma_wait3A_143] : memref<64x128xi32, #tpu.memory_space<vmem>> -> memref<1x128xi32, #tpu.memory_space<vmem>>
        %dma_wait3A_145 = tpu.memref_squeeze %dma_wait3A_144 : memref<1x128xi32, #tpu.memory_space<vmem>> -> memref<128xi32, #tpu.memory_space<vmem>>
        %dma_wait3A_146 = arith.constant 0 : i32
        %dma_wait3A_147 = tpu.memref_slice %arg5[%dma_wait3A_146] : memref<64004096xf32, #tpu.memory_space<hbm>> -> memref<64004096xf32, #tpu.memory_space<hbm>>
        tpu.wait_indirect_dma semaphore(%arg28 : memref<!tpu.dma_semaphore, #tpu.memory_space<semaphore_mem>>) src(%dma_wait3A_147 : memref<64004096xf32, #tpu.memory_space<hbm>>) dst(%dma_wait3A_142 : memref<128xf32, #tpu.memory_space<vmem>>)
      }
      %scan3A_38 = arith.constant 64 : i32
      %jit3A = arith.constant 4 : i32
      %div3A = arith.divsi %add3A_28, %jit3A : i32
      %sign3A = arith.constant 0 : i32
      %sign3A_39 = arith.cmpi sgt, %add3A_28, %sign3A : i32
      %sign3A_40 = arith.extui %sign3A_39 : i1 to i32
      %sign3A_41 = arith.constant 0 : i32
      %sign3A_42 = arith.cmpi slt, %add3A_28, %sign3A_41 : i32
      %sign3A_43 = arith.extui %sign3A_42 : i1 to i32
      %sign3A_44 = arith.subi %sign3A_40, %sign3A_43 : i32
      %sign3A_45 = arith.constant 0 : i32
      %sign3A_46 = arith.cmpi sgt, %jit3A, %sign3A_45 : i32
      %sign3A_47 = arith.extui %sign3A_46 : i1 to i32
      %sign3A_48 = arith.constant 0 : i32
      %sign3A_49 = arith.cmpi slt, %jit3A, %sign3A_48 : i32
      %sign3A_50 = arith.extui %sign3A_49 : i1 to i32
      %sign3A_51 = arith.subi %sign3A_47, %sign3A_50 : i32
      %ne3A = arith.cmpi ne, %sign3A_44, %sign3A_51 : i32
      %rem3A = arith.remsi %add3A_28, %jit3A : i32
      %ne3A_52 = arith.constant 0 : i32
      %ne3A_53 = arith.cmpi ne, %rem3A, %ne3A_52 : i32
      %and3A = arith.andi %ne3A, %ne3A_53 : i1
      %sub3A = arith.constant 1 : i32
      %sub3A_54 = arith.subi %div3A, %sub3A : i32
      %select_n3A = arith.select %and3A, %sub3A_54, %div3A : i32
      %mul3A_55 = arith.constant 4 : i32
      %mul3A_56 = arith.muli %select_n3A, %mul3A_55 : i32
      %sub3A_57 = arith.subi %add3A_28, %mul3A_56 : i32
      %mul3A_58 = arith.constant 512 : i32
      %mul3A_59 = arith.muli %select_n3A, %mul3A_58 : i32
      %mul3A_60 = arith.constant 128 : i32
      %mul3A_61 = arith.muli %sub3A_57, %mul3A_60 : i32
      %add3A_62 = arith.addi %mul3A_59, %mul3A_61 : i32
      %scan3A_63 = arith.constant 0 : i32
      %scan3A_64 = arith.constant 0 : i32
      %scan3A_65 = arith.constant 8 : i32
      %scan3A_66 = arith.addi %scan3A_64, %scan3A_65 : i32
      %scan3A_67 = arith.constant 1 : i32
      scf.for %scan3A_124 = %scan3A_64 to %scan3A_66 step %scan3A_67  : i32 {
        %mul3A_125 = arith.constant 16 : i32
        %mul3A_126 = arith.muli %scan3A_124, %mul3A_125 : i32
        %broadcast_in_dim3A = arith.constant 0.000000e+00 : f32
        %broadcast_in_dim3A_127 = vector.broadcast %broadcast_in_dim3A : f32 to vector<16xf32>
        %scan3A_128 = arith.constant 0 : i32
        %scan3A_129 = arith.constant 64 : i32
        %scan3A_130 = arith.addi %scan3A_128, %scan3A_129 : i32
        %scan3A_131 = arith.constant 1 : i32
        %scan3A_132:6 = scf.for %scan3A_285 = %scan3A_128 to %scan3A_130 step %scan3A_131 iter_args(%scan3A_286 = %broadcast_in_dim3A_127, %scan3A_287 = %broadcast_in_dim3A_127, %scan3A_288 = %broadcast_in_dim3A_127, %scan3A_289 = %broadcast_in_dim3A_127, %scan3A_290 = %broadcast_in_dim3A_127, %scan3A_291 = %broadcast_in_dim3A_127) -> (vector<16xf32>, vector<16xf32>, vector<16xf32>, vector<16xf32>, vector<16xf32>, vector<16xf32>)  : i32 {
          %get3A_292 = arith.index_cast %scan3A_285 : i32 to index
          %get3A_293 = arith.index_cast %mul3A_126 : i32 to index
          %get3A_294 = tpu.vector_load %arg20[%get3A_292, %get3A_293] {strides = array<i32>} : memref<64x128xf32, #tpu.memory_space<vmem>>, vector<1x16xf32>,
          %get3A_295 = vector.shape_cast %get3A_294 : vector<1x16xf32> to vector<16xf32>
          %get3A_296 = arith.index_cast %scan3A_285 : i32 to index
          %get3A_297 = arith.index_cast %mul3A_126 : i32 to index
          %get3A_298 = tpu.vector_load %arg22[%get3A_296, %get3A_297] {strides = array<i32>} : memref<64x128xf32, #tpu.memory_space<vmem>>, vector<1x16xf32>,
          %get3A_299 = vector.shape_cast %get3A_298 : vector<1x16xf32> to vector<16xf32>
          %get3A_300 = arith.index_cast %scan3A_285 : i32 to index
          %get3A_301 = arith.index_cast %mul3A_126 : i32 to index
          %get3A_302 = tpu.vector_load %arg24[%get3A_300, %get3A_301] {strides = array<i32>} : memref<64x128xf32, #tpu.memory_space<vmem>>, vector<1x16xf32>,
          %get3A_303 = vector.shape_cast %get3A_302 : vector<1x16xf32> to vector<16xf32>
          %mul3A_304 = arith.mulf %get3A_295, %get3A_295 : vector<16xf32>
          %add3A_305 = arith.addf %scan3A_286, %mul3A_304 : vector<16xf32>
          %mul3A_306 = arith.mulf %get3A_303, %get3A_303 : vector<16xf32>
          %add3A_307 = arith.addf %scan3A_287, %mul3A_306 : vector<16xf32>
          %mul3A_308 = arith.mulf %get3A_299, %get3A_299 : vector<16xf32>
          %add3A_309 = arith.addf %scan3A_288, %mul3A_308 : vector<16xf32>
          %mul3A_310 = arith.mulf %get3A_295, %get3A_299 : vector<16xf32>
          %add3A_311 = arith.addf %scan3A_289, %mul3A_310 : vector<16xf32>
          %mul3A_312 = arith.mulf %get3A_295, %get3A_303 : vector<16xf32>
          %add3A_313 = arith.addf %scan3A_290, %mul3A_312 : vector<16xf32>
          %mul3A_314 = arith.mulf %get3A_299, %get3A_303 : vector<16xf32>
          %add3A_315 = arith.addf %scan3A_291, %mul3A_314 : vector<16xf32>
          scf.yield %add3A_305, %add3A_307, %add3A_309, %add3A_311, %add3A_313, %add3A_315 : vector<16xf32>, vector<16xf32>, vector<16xf32>, vector<16xf32>, vector<16xf32>, vector<16xf32>
        }
        %scan3A_133 = arith.constant 64 : i32
        %broadcast_in_dim3A_134 = arith.constant 999999 : i32
        %broadcast_in_dim3A_135 = vector.broadcast %broadcast_in_dim3A_134 : i32 to vector<16xi32>
        %broadcast_in_dim3A_136 = arith.constant 1.000000e+00 : f32
        %broadcast_in_dim3A_137 = vector.broadcast %broadcast_in_dim3A_136 : f32 to vector<16xf32>
        %get3A = arith.index_cast %mul3A_126 : i32 to index
        %get3A_138 = tpu.vector_load %arg8[%get3A] {strides = array<i32>} : memref<128xi32, #tpu.memory_space<vmem>>, vector<16xi32>,
        %get3A_139 = vector.shape_cast %get3A_138 : vector<16xi32> to vector<16xi32>
        %eq3A = arith.cmpi eq, %get3A_139, %broadcast_in_dim3A_135 : vector<16xi32>
        %select_n3A_140 = arith.select %eq3A, %broadcast_in_dim3A_137, %broadcast_in_dim3A_127 : vector<16xi1>, vector<16xf32>
        %get3A_141 = arith.index_cast %mul3A_126 : i32 to index
        %get3A_142 = tpu.vector_load %arg12[%get3A_141] {strides = array<i32>} : memref<128xi32, #tpu.memory_space<vmem>>, vector<16xi32>,
        %get3A_143 = vector.shape_cast %get3A_142 : vector<16xi32> to vector<16xi32>
        %eq3A_144 = arith.cmpi eq, %get3A_143, %broadcast_in_dim3A_135 : vector<16xi32>
        %select_n3A_145 = arith.select %eq3A_144, %broadcast_in_dim3A_137, %broadcast_in_dim3A_127 : vector<16xi1>, vector<16xf32>
        %bitcast_convert_type3A = tpu.bitcast %scan3A_132#0 : vector<16xf32> -> vector<16xi32>
        %shift_right_arithmetic3A = arith.constant 1 : i32
        %shift_right_arithmetic3A_146 = vector.broadcast %shift_right_arithmetic3A : i32 to vector<16xi32>
        %shift_right_arithmetic3A_147 = arith.shrsi %bitcast_convert_type3A, %shift_right_arithmetic3A_146 : vector<16xi32>
        %sub3A_148 = arith.constant 1597463007 : i32
        %sub3A_149 = vector.broadcast %sub3A_148 : i32 to vector<16xi32>
        %sub3A_150 = arith.subi %sub3A_149, %shift_right_arithmetic3A_147 : vector<16xi32>
        %bitcast_convert_type3A_151 = tpu.bitcast %sub3A_150 : vector<16xi32> -> vector<16xf32>
        %mul3A_152 = arith.constant 5.000000e-01 : f32
        %mul3A_153 = vector.broadcast %mul3A_152 : f32 to vector<16xf32>
        %mul3A_154 = arith.mulf %mul3A_153, %scan3A_132#0 : vector<16xf32>
        %mul3A_155 = arith.mulf %mul3A_154, %bitcast_convert_type3A_151 : vector<16xf32>
        %mul3A_156 = arith.mulf %mul3A_155, %bitcast_convert_type3A_151 : vector<16xf32>
        %sub3A_157 = arith.constant 1.500000e+00 : f32
        %sub3A_158 = vector.broadcast %sub3A_157 : f32 to vector<16xf32>
        %sub3A_159 = arith.subf %sub3A_158, %mul3A_156 : vector<16xf32>
        %mul3A_160 = arith.mulf %bitcast_convert_type3A_151, %sub3A_159 : vector<16xf32>
        %mul3A_161 = arith.constant 5.000000e-01 : f32
        %mul3A_162 = vector.broadcast %mul3A_161 : f32 to vector<16xf32>
        %mul3A_163 = arith.mulf %mul3A_162, %scan3A_132#0 : vector<16xf32>
        %mul3A_164 = arith.mulf %mul3A_163, %mul3A_160 : vector<16xf32>
        %mul3A_165 = arith.mulf %mul3A_164, %mul3A_160 : vector<16xf32>
        %sub3A_166 = arith.constant 1.500000e+00 : f32
        %sub3A_167 = vector.broadcast %sub3A_166 : f32 to vector<16xf32>
        %sub3A_168 = arith.subf %sub3A_167, %mul3A_165 : vector<16xf32>
        %mul3A_169 = arith.mulf %mul3A_160, %sub3A_168 : vector<16xf32>
        %mul3A_170 = arith.constant 5.000000e-01 : f32
        %mul3A_171 = vector.broadcast %mul3A_170 : f32 to vector<16xf32>
        %mul3A_172 = arith.mulf %mul3A_171, %scan3A_132#0 : vector<16xf32>
        %mul3A_173 = arith.mulf %mul3A_172, %mul3A_169 : vector<16xf32>
        %mul3A_174 = arith.mulf %mul3A_173, %mul3A_169 : vector<16xf32>
        %sub3A_175 = arith.constant 1.500000e+00 : f32
        %sub3A_176 = vector.broadcast %sub3A_175 : f32 to vector<16xf32>
        %sub3A_177 = arith.subf %sub3A_176, %mul3A_174 : vector<16xf32>
        %mul3A_178 = arith.mulf %mul3A_169, %sub3A_177 : vector<16xf32>
        %sub3A_179 = arith.constant 1.000000e+00 : f32
        %sub3A_180 = vector.broadcast %sub3A_179 : f32 to vector<16xf32>
        %sub3A_181 = arith.subf %sub3A_180, %mul3A_178 : vector<16xf32>
        %mul3A_182 = arith.mulf %select_n3A_140, %sub3A_181 : vector<16xf32>
        %add3A_183 = arith.addf %mul3A_178, %mul3A_182 : vector<16xf32>
        %bitcast_convert_type3A_184 = tpu.bitcast %scan3A_132#1 : vector<16xf32> -> vector<16xi32>
        %shift_right_arithmetic3A_185 = arith.constant 1 : i32
        %shift_right_arithmetic3A_186 = vector.broadcast %shift_right_arithmetic3A_185 : i32 to vector<16xi32>
        %shift_right_arithmetic3A_187 = arith.shrsi %bitcast_convert_type3A_184, %shift_right_arithmetic3A_186 : vector<16xi32>
        %sub3A_188 = arith.constant 1597463007 : i32
        %sub3A_189 = vector.broadcast %sub3A_188 : i32 to vector<16xi32>
        %sub3A_190 = arith.subi %sub3A_189, %shift_right_arithmetic3A_187 : vector<16xi32>
        %bitcast_convert_type3A_191 = tpu.bitcast %sub3A_190 : vector<16xi32> -> vector<16xf32>
        %mul3A_192 = arith.constant 5.000000e-01 : f32
        %mul3A_193 = vector.broadcast %mul3A_192 : f32 to vector<16xf32>
        %mul3A_194 = arith.mulf %mul3A_193, %scan3A_132#1 : vector<16xf32>
        %mul3A_195 = arith.mulf %mul3A_194, %bitcast_convert_type3A_191 : vector<16xf32>
        %mul3A_196 = arith.mulf %mul3A_195, %bitcast_convert_type3A_191 : vector<16xf32>
        %sub3A_197 = arith.constant 1.500000e+00 : f32
        %sub3A_198 = vector.broadcast %sub3A_197 : f32 to vector<16xf32>
        %sub3A_199 = arith.subf %sub3A_198, %mul3A_196 : vector<16xf32>
        %mul3A_200 = arith.mulf %bitcast_convert_type3A_191, %sub3A_199 : vector<16xf32>
        %mul3A_201 = arith.constant 5.000000e-01 : f32
        %mul3A_202 = vector.broadcast %mul3A_201 : f32 to vector<16xf32>
        %mul3A_203 = arith.mulf %mul3A_202, %scan3A_132#1 : vector<16xf32>
        %mul3A_204 = arith.mulf %mul3A_203, %mul3A_200 : vector<16xf32>
        %mul3A_205 = arith.mulf %mul3A_204, %mul3A_200 : vector<16xf32>
        %sub3A_206 = arith.constant 1.500000e+00 : f32
        %sub3A_207 = vector.broadcast %sub3A_206 : f32 to vector<16xf32>
        %sub3A_208 = arith.subf %sub3A_207, %mul3A_205 : vector<16xf32>
        %mul3A_209 = arith.mulf %mul3A_200, %sub3A_208 : vector<16xf32>
        %mul3A_210 = arith.constant 5.000000e-01 : f32
        %mul3A_211 = vector.broadcast %mul3A_210 : f32 to vector<16xf32>
        %mul3A_212 = arith.mulf %mul3A_211, %scan3A_132#1 : vector<16xf32>
        %mul3A_213 = arith.mulf %mul3A_212, %mul3A_209 : vector<16xf32>
        %mul3A_214 = arith.mulf %mul3A_213, %mul3A_209 : vector<16xf32>
        %sub3A_215 = arith.constant 1.500000e+00 : f32
        %sub3A_216 = vector.broadcast %sub3A_215 : f32 to vector<16xf32>
        %sub3A_217 = arith.subf %sub3A_216, %mul3A_214 : vector<16xf32>
        %mul3A_218 = arith.mulf %mul3A_209, %sub3A_217 : vector<16xf32>
        %sub3A_219 = arith.constant 1.000000e+00 : f32
        %sub3A_220 = vector.broadcast %sub3A_219 : f32 to vector<16xf32>
        %sub3A_221 = arith.subf %sub3A_220, %mul3A_218 : vector<16xf32>
        %mul3A_222 = arith.mulf %select_n3A_145, %sub3A_221 : vector<16xf32>
        %add3A_223 = arith.addf %mul3A_218, %mul3A_222 : vector<16xf32>
        %mul3A_224 = arith.mulf %add3A_183, %add3A_183 : vector<16xf32>
        %mul3A_225 = arith.mulf %scan3A_132#0, %mul3A_224 : vector<16xf32>
        %add3A_226 = arith.addf %mul3A_225, %scan3A_132#2 : vector<16xf32>
        %mul3A_227 = arith.mulf %add3A_223, %add3A_223 : vector<16xf32>
        %mul3A_228 = arith.mulf %scan3A_132#1, %mul3A_227 : vector<16xf32>
        %add3A_229 = arith.addf %add3A_226, %mul3A_228 : vector<16xf32>
        %mul3A_230 = arith.mulf %add3A_183, %scan3A_132#3 : vector<16xf32>
        %mul3A_231 = arith.mulf %add3A_183, %add3A_223 : vector<16xf32>
        %mul3A_232 = arith.mulf %mul3A_231, %scan3A_132#4 : vector<16xf32>
        %sub3A_233 = arith.subf %mul3A_230, %mul3A_232 : vector<16xf32>
        %mul3A_234 = arith.mulf %add3A_223, %scan3A_132#5 : vector<16xf32>
        %sub3A_235 = arith.subf %sub3A_233, %mul3A_234 : vector<16xf32>
        %mul3A_236 = arith.constant 2.000000e+00 : f32
        %mul3A_237 = vector.broadcast %mul3A_236 : f32 to vector<16xf32>
        %mul3A_238 = arith.mulf %mul3A_237, %sub3A_235 : vector<16xf32>
        %add3A_239 = arith.addf %add3A_229, %mul3A_238 : vector<16xf32>
        %max3A = arith.constant 0.000000e+00 : f32
        %max3A_240 = vector.broadcast %max3A : f32 to vector<16xf32>
        %max3A_241 = arith.maximumf %add3A_239, %max3A_240 : vector<16xf32>
        %gt3A = arith.constant 0.000000e+00 : f32
        %gt3A_242 = vector.broadcast %gt3A : f32 to vector<16xf32>
        %gt3A_243 = arith.cmpf ogt, %max3A_241, %gt3A_242 : vector<16xf32>
        %bitcast_convert_type3A_244 = tpu.bitcast %max3A_241 : vector<16xf32> -> vector<16xi32>
        %shift_right_arithmetic3A_245 = arith.constant 1 : i32
        %shift_right_arithmetic3A_246 = vector.broadcast %shift_right_arithmetic3A_245 : i32 to vector<16xi32>
        %shift_right_arithmetic3A_247 = arith.shrsi %bitcast_convert_type3A_244, %shift_right_arithmetic3A_246 : vector<16xi32>
        %sub3A_248 = arith.constant 1597463007 : i32
        %sub3A_249 = vector.broadcast %sub3A_248 : i32 to vector<16xi32>
        %sub3A_250 = arith.subi %sub3A_249, %shift_right_arithmetic3A_247 : vector<16xi32>
        %bitcast_convert_type3A_251 = tpu.bitcast %sub3A_250 : vector<16xi32> -> vector<16xf32>
        %mul3A_252 = arith.constant 5.000000e-01 : f32
        %mul3A_253 = vector.broadcast %mul3A_252 : f32 to vector<16xf32>
        %mul3A_254 = arith.mulf %mul3A_253, %max3A_241 : vector<16xf32>
        %mul3A_255 = arith.mulf %mul3A_254, %bitcast_convert_type3A_251 : vector<16xf32>
        %mul3A_256 = arith.mulf %mul3A_255, %bitcast_convert_type3A_251 : vector<16xf32>
        %sub3A_257 = arith.constant 1.500000e+00 : f32
        %sub3A_258 = vector.broadcast %sub3A_257 : f32 to vector<16xf32>
        %sub3A_259 = arith.subf %sub3A_258, %mul3A_256 : vector<16xf32>
        %mul3A_260 = arith.mulf %bitcast_convert_type3A_251, %sub3A_259 : vector<16xf32>
        %mul3A_261 = arith.constant 5.000000e-01 : f32
        %mul3A_262 = vector.broadcast %mul3A_261 : f32 to vector<16xf32>
        %mul3A_263 = arith.mulf %mul3A_262, %max3A_241 : vector<16xf32>
        %mul3A_264 = arith.mulf %mul3A_263, %mul3A_260 : vector<16xf32>
        %mul3A_265 = arith.mulf %mul3A_264, %mul3A_260 : vector<16xf32>
        %sub3A_266 = arith.constant 1.500000e+00 : f32
        %sub3A_267 = vector.broadcast %sub3A_266 : f32 to vector<16xf32>
        %sub3A_268 = arith.subf %sub3A_267, %mul3A_265 : vector<16xf32>
        %mul3A_269 = arith.mulf %mul3A_260, %sub3A_268 : vector<16xf32>
        %mul3A_270 = arith.constant 5.000000e-01 : f32
        %mul3A_271 = vector.broadcast %mul3A_270 : f32 to vector<16xf32>
        %mul3A_272 = arith.mulf %mul3A_271, %max3A_241 : vector<16xf32>
        %mul3A_273 = arith.mulf %mul3A_272, %mul3A_269 : vector<16xf32>
        %mul3A_274 = arith.mulf %mul3A_273, %mul3A_269 : vector<16xf32>
        %sub3A_275 = arith.constant 1.500000e+00 : f32
        %sub3A_276 = vector.broadcast %sub3A_275 : f32 to vector<16xf32>
        %sub3A_277 = arith.subf %sub3A_276, %mul3A_274 : vector<16xf32>
        %mul3A_278 = arith.mulf %mul3A_269, %sub3A_277 : vector<16xf32>
        %mul3A_279 = arith.mulf %max3A_241, %mul3A_278 : vector<16xf32>
        %select_n3A_280 = arith.select %gt3A_243, %mul3A_279, %broadcast_in_dim3A_127 : vector<16xi1>, vector<16xf32>
        %add3A_281 = arith.addi %add3A_62, %mul3A_126 : i32
        %swap3A = arith.index_cast %add3A_281 : i32 to index
        %swap3A_282 = tpu.vector_load %arg26[%swap3A] {strides = array<i32>} : memref<1024xf32, #tpu.memory_space<vmem>>, vector<16xf32>,
        %swap3A_283 = vector.shape_cast %swap3A_282 : vector<16xf32> to vector<16xf32>
        %swap3A_284 = vector.shape_cast %select_n3A_280 : vector<16xf32> to vector<16xf32>
        tpu.vector_store %arg26[%swap3A], %swap3A_284 {strides = array<i32>} : memref<1024xf32, #tpu.memory_space<vmem>>, vector<16xf32>,
      }
      %scan3A_68 = arith.constant 8 : i32
      %mul3A_69 = arith.constant 2 : i32
      %mul3A_70 = arith.muli %mul3A_69, %scan3A_24 : i32
      %add3A_71 = arith.constant 1 : i32
      %add3A_72 = arith.addi %mul3A_70, %add3A_71 : i32
      %add3A_73 = arith.constant 1 : i32
      %add3A_74 = arith.addi %add3A_72, %add3A_73 : i32
      %lt3A_75 = arith.constant 8 : i32
      %lt3A_76 = arith.cmpi slt, %add3A_74, %lt3A_75 : i32
      %convert_element_type3A_77 = arith.extui %lt3A_76 : i1 to i32
      %cond3A_78 = arith.constant 0 : i32
      %cond3A_79 = arith.cmpi ne, %convert_element_type3A_77, %cond3A_78 : i32
      scf.if %cond3A_79 {
        %add3A_124 = arith.constant 1 : i32
        %add3A_125 = arith.addi %add3A_72, %add3A_124 : i32
        %jit3A_126 = arith.constant 4 : i32
        %div3A_127 = arith.divsi %add3A_125, %jit3A_126 : i32
        %sign3A_128 = arith.constant 0 : i32
        %sign3A_129 = arith.cmpi sgt, %add3A_125, %sign3A_128 : i32
        %sign3A_130 = arith.extui %sign3A_129 : i1 to i32
        %sign3A_131 = arith.constant 0 : i32
        %sign3A_132 = arith.cmpi slt, %add3A_125, %sign3A_131 : i32
        %sign3A_133 = arith.extui %sign3A_132 : i1 to i32
        %sign3A_134 = arith.subi %sign3A_130, %sign3A_133 : i32
        %sign3A_135 = arith.constant 0 : i32
        %sign3A_136 = arith.cmpi sgt, %jit3A_126, %sign3A_135 : i32
        %sign3A_137 = arith.extui %sign3A_136 : i1 to i32
        %sign3A_138 = arith.constant 0 : i32
        %sign3A_139 = arith.cmpi slt, %jit3A_126, %sign3A_138 : i32
        %sign3A_140 = arith.extui %sign3A_139 : i1 to i32
        %sign3A_141 = arith.subi %sign3A_137, %sign3A_140 : i32
        %ne3A_142 = arith.cmpi ne, %sign3A_134, %sign3A_141 : i32
        %rem3A_143 = arith.remsi %add3A_125, %jit3A_126 : i32
        %ne3A_144 = arith.constant 0 : i32
        %ne3A_145 = arith.cmpi ne, %rem3A_143, %ne3A_144 : i32
        %and3A_146 = arith.andi %ne3A_142, %ne3A_145 : i1
        %sub3A_147 = arith.constant 1 : i32
        %sub3A_148 = arith.subi %div3A_127, %sub3A_147 : i32
        %select_n3A_149 = arith.select %and3A_146, %sub3A_148, %div3A_127 : i32
        %mul3A_150 = arith.constant 4 : i32
        %mul3A_151 = arith.muli %select_n3A_149, %mul3A_150 : i32
        %sub3A_152 = arith.subi %add3A_125, %mul3A_151 : i32
        %mul3A_153 = arith.constant 16384 : i32
        %mul3A_154 = arith.muli %select_n3A_149, %mul3A_153 : i32
        %add3A_155 = arith.addi %mul3A_154, %mul3A_2 : i32
        %mul3A_156 = arith.constant 128 : i32
        %mul3A_157 = arith.muli %sub3A_152, %mul3A_156 : i32
        %add3A_158 = arith.addi %add3A_155, %mul3A_157 : i32
        "tpu.region"() ({
          %run_scoped3A = tpu.sem_alloc : memref<!tpu.dma_semaphore, #tpu.memory_space<semaphore_mem>>
          %dma_start3A = tpu.memref_slice %arg2[%add3A_158] : memref<32768xi32, #tpu.memory_space<hbm>> -> memref<128xi32, #tpu.memory_space<hbm>>
          %dma_start3A_165 = tpu.memref_slice %arg2[%add3A_158] : memref<32768xi32, #tpu.memory_space<hbm>> -> memref<128xi32, #tpu.memory_space<hbm>>
          tpu.enqueue_dma source(%dma_start3A_165 : memref<128xi32, #tpu.memory_space<hbm>>) target(%arg8 : memref<128xi32, #tpu.memory_space<vmem>>) target_semaphore(%run_scoped3A : memref<!tpu.dma_semaphore, #tpu.memory_space<semaphore_mem>>)
          %dma_wait3A = tpu.memref_slice %arg2[%add3A_158] : memref<32768xi32, #tpu.memory_space<hbm>> -> memref<128xi32, #tpu.memory_space<hbm>>
          %dma_wait3A_166 = tpu.memref_slice %arg2[%add3A_158] : memref<32768xi32, #tpu.memory_space<hbm>> -> memref<128xi32, #tpu.memory_space<hbm>>
          tpu.wait_dma2 semaphore(%run_scoped3A : memref<!tpu.dma_semaphore, #tpu.memory_space<semaphore_mem>>) src(%dma_wait3A_166 : memref<128xi32, #tpu.memory_space<hbm>>) dst(%arg8 : memref<128xi32, #tpu.memory_space<vmem>>)
          tpu.yield
        }) : () -> ()
        "tpu.region"() ({
          %run_scoped3A = tpu.sem_alloc : memref<!tpu.dma_semaphore, #tpu.memory_space<semaphore_mem>>
          %dma_start3A = tpu.memref_slice %arg3[%add3A_158] : memref<32768xi32, #tpu.memory_space<hbm>> -> memref<128xi32, #tpu.memory_space<hbm>>
          %dma_start3A_165 = tpu.memref_slice %arg3[%add3A_158] : memref<32768xi32, #tpu.memory_space<hbm>> -> memref<128xi32, #tpu.memory_space<hbm>>
          tpu.enqueue_dma source(%dma_start3A_165 : memref<128xi32, #tpu.memory_space<hbm>>) target(%arg10 : memref<128xi32, #tpu.memory_space<vmem>>) target_semaphore(%run_scoped3A : memref<!tpu.dma_semaphore, #tpu.memory_space<semaphore_mem>>)
          %dma_wait3A = tpu.memref_slice %arg3[%add3A_158] : memref<32768xi32, #tpu.memory_space<hbm>> -> memref<128xi32, #tpu.memory_space<hbm>>
          %dma_wait3A_166 = tpu.memref_slice %arg3[%add3A_158] : memref<32768xi32, #tpu.memory_space<hbm>> -> memref<128xi32, #tpu.memory_space<hbm>>
          tpu.wait_dma2 semaphore(%run_scoped3A : memref<!tpu.dma_semaphore, #tpu.memory_space<semaphore_mem>>) src(%dma_wait3A_166 : memref<128xi32, #tpu.memory_space<hbm>>) dst(%arg10 : memref<128xi32, #tpu.memory_space<vmem>>)
          tpu.yield
        }) : () -> ()
        "tpu.region"() ({
          %run_scoped3A = tpu.sem_alloc : memref<!tpu.dma_semaphore, #tpu.memory_space<semaphore_mem>>
          %dma_start3A = tpu.memref_slice %arg4[%add3A_158] : memref<32768xi32, #tpu.memory_space<hbm>> -> memref<128xi32, #tpu.memory_space<hbm>>
          %dma_start3A_165 = tpu.memref_slice %arg4[%add3A_158] : memref<32768xi32, #tpu.memory_space<hbm>> -> memref<128xi32, #tpu.memory_space<hbm>>
          tpu.enqueue_dma source(%dma_start3A_165 : memref<128xi32, #tpu.memory_space<hbm>>) target(%arg12 : memref<128xi32, #tpu.memory_space<vmem>>) target_semaphore(%run_scoped3A : memref<!tpu.dma_semaphore, #tpu.memory_space<semaphore_mem>>)
          %dma_wait3A = tpu.memref_slice %arg4[%add3A_158] : memref<32768xi32, #tpu.memory_space<hbm>> -> memref<128xi32, #tpu.memory_space<hbm>>
          %dma_wait3A_166 = tpu.memref_slice %arg4[%add3A_158] : memref<32768xi32, #tpu.memory_space<hbm>> -> memref<128xi32, #tpu.memory_space<hbm>>
          tpu.wait_dma2 semaphore(%run_scoped3A : memref<!tpu.dma_semaphore, #tpu.memory_space<semaphore_mem>>) src(%dma_wait3A_166 : memref<128xi32, #tpu.memory_space<hbm>>) dst(%arg12 : memref<128xi32, #tpu.memory_space<vmem>>)
          tpu.yield
        }) : () -> ()
        %scan3A_159 = arith.constant 0 : i32
        %scan3A_160 = arith.constant 0 : i32
        %scan3A_161 = arith.constant 64 : i32
        %scan3A_162 = arith.addi %scan3A_160, %scan3A_161 : i32
        %scan3A_163 = arith.constant 1 : i32
        scf.for %scan3A_165 = %scan3A_160 to %scan3A_162 step %scan3A_163  : i32 {
          %shift_right_arithmetic3A = arith.constant 3 : i32
          %shift_right_arithmetic3A_166 = arith.shrsi %scan3A_165, %shift_right_arithmetic3A : i32
          %mul3A_167 = arith.constant 8000512 : i32
          %mul3A_168 = arith.muli %shift_right_arithmetic3A_166, %mul3A_167 : i32
          %and3A_169 = arith.constant 7 : i32
          %and3A_170 = arith.andi %scan3A_165, %and3A_169 : i32
          %mul3A_171 = arith.constant 128 : i32
          %mul3A_172 = arith.muli %and3A_170, %mul3A_171 : i32
          %add3A_173 = arith.addi %mul3A_168, %mul3A_172 : i32
          %scan3A_174 = arith.constant 0 : i32
          %scan3A_175 = arith.constant 0 : i32
          %scan3A_176 = arith.constant 8 : i32
          %scan3A_177 = arith.addi %scan3A_175, %scan3A_176 : i32
          %scan3A_178 = arith.constant 1 : i32
          scf.for %scan3A_203 = %scan3A_175 to %scan3A_177 step %scan3A_178  : i32 {
            %mul3A_204 = arith.constant 16 : i32
            %mul3A_205 = arith.muli %scan3A_203, %mul3A_204 : i32
            %get3A = arith.index_cast %mul3A_205 : i32 to index
            %get3A_206 = tpu.vector_load %arg8[%get3A] {strides = array<i32>} : memref<128xi32, #tpu.memory_space<vmem>>, vector<16xi32>,
            %get3A_207 = vector.shape_cast %get3A_206 : vector<16xi32> to vector<16xi32>
            %shift_right_arithmetic3A_208 = arith.constant 7 : i32
            %shift_right_arithmetic3A_209 = vector.broadcast %shift_right_arithmetic3A_208 : i32 to vector<16xi32>
            %shift_right_arithmetic3A_210 = arith.shrsi %get3A_207, %shift_right_arithmetic3A_209 : vector<16xi32>
            %shift_left3A = arith.constant 10 : i32
            %shift_left3A_211 = vector.broadcast %shift_left3A : i32 to vector<16xi32>
            %shift_left3A_212 = arith.shli %shift_right_arithmetic3A_210, %shift_left3A_211 : vector<16xi32>
            %and3A_213 = arith.constant 127 : i32
            %and3A_214 = vector.broadcast %and3A_213 : i32 to vector<16xi32>
            %and3A_215 = arith.andi %get3A_207, %and3A_214 : vector<16xi32>
            %add3A_216 = arith.addi %shift_left3A_212, %and3A_215 : vector<16xi32>
            %add3A_217 = vector.broadcast %add3A_173 : i32 to vector<16xi32>
            %add3A_218 = arith.addi %add3A_216, %add3A_217 : vector<16xi32>
            %swap3A = arith.index_cast %scan3A_165 : i32 to index
            %swap3A_219 = arith.index_cast %mul3A_205 : i32 to index
            %swap3A_220 = tpu.vector_load %arg14[%swap3A, %swap3A_219] {strides = array<i32>} : memref<64x128xi32, #tpu.memory_space<vmem>>, vector<1x16xi32>,
            %swap3A_221 = vector.shape_cast %swap3A_220 : vector<1x16xi32> to vector<16xi32>
            %swap3A_222 = vector.shape_cast %add3A_218 : vector<16xi32> to vector<1x16xi32>
            tpu.vector_store %arg14[%swap3A, %swap3A_219], %swap3A_222 {strides = array<i32>} : memref<64x128xi32, #tpu.memory_space<vmem>>, vector<1x16xi32>,
            %get3A_223 = arith.index_cast %mul3A_205 : i32 to index
            %get3A_224 = tpu.vector_load %arg10[%get3A_223] {strides = array<i32>} : memref<128xi32, #tpu.memory_space<vmem>>, vector<16xi32>,
            %get3A_225 = vector.shape_cast %get3A_224 : vector<16xi32> to vector<16xi32>
            %shift_right_arithmetic3A_226 = arith.constant 7 : i32
            %shift_right_arithmetic3A_227 = vector.broadcast %shift_right_arithmetic3A_226 : i32 to vector<16xi32>
            %shift_right_arithmetic3A_228 = arith.shrsi %get3A_225, %shift_right_arithmetic3A_227 : vector<16xi32>
            %shift_left3A_229 = arith.constant 10 : i32
            %shift_left3A_230 = vector.broadcast %shift_left3A_229 : i32 to vector<16xi32>
            %shift_left3A_231 = arith.shli %shift_right_arithmetic3A_228, %shift_left3A_230 : vector<16xi32>
            %and3A_232 = arith.constant 127 : i32
            %and3A_233 = vector.broadcast %and3A_232 : i32 to vector<16xi32>
            %and3A_234 = arith.andi %get3A_225, %and3A_233 : vector<16xi32>
            %add3A_235 = arith.addi %shift_left3A_231, %and3A_234 : vector<16xi32>
            %add3A_236 = vector.broadcast %add3A_173 : i32 to vector<16xi32>
            %add3A_237 = arith.addi %add3A_235, %add3A_236 : vector<16xi32>
            %swap3A_238 = arith.index_cast %scan3A_165 : i32 to index
            %swap3A_239 = arith.index_cast %mul3A_205 : i32 to index
            %swap3A_240 = tpu.vector_load %arg16[%swap3A_238, %swap3A_239] {strides = array<i32>} : memref<64x128xi32, #tpu.memory_space<vmem>>, vector<1x16xi32>,
            %swap3A_241 = vector.shape_cast %swap3A_240 : vector<1x16xi32> to vector<16xi32>
            %swap3A_242 = vector.shape_cast %add3A_237 : vector<16xi32> to vector<1x16xi32>
            tpu.vector_store %arg16[%swap3A_238, %swap3A_239], %swap3A_242 {strides = array<i32>} : memref<64x128xi32, #tpu.memory_space<vmem>>, vector<1x16xi32>,
            %get3A_243 = arith.index_cast %mul3A_205 : i32 to index
            %get3A_244 = tpu.vector_load %arg12[%get3A_243] {strides = array<i32>} : memref<128xi32, #tpu.memory_space<vmem>>, vector<16xi32>,
            %get3A_245 = vector.shape_cast %get3A_244 : vector<16xi32> to vector<16xi32>
            %shift_right_arithmetic3A_246 = arith.constant 7 : i32
            %shift_right_arithmetic3A_247 = vector.broadcast %shift_right_arithmetic3A_246 : i32 to vector<16xi32>
            %shift_right_arithmetic3A_248 = arith.shrsi %get3A_245, %shift_right_arithmetic3A_247 : vector<16xi32>
            %shift_left3A_249 = arith.constant 10 : i32
            %shift_left3A_250 = vector.broadcast %shift_left3A_249 : i32 to vector<16xi32>
            %shift_left3A_251 = arith.shli %shift_right_arithmetic3A_248, %shift_left3A_250 : vector<16xi32>
            %and3A_252 = arith.constant 127 : i32
            %and3A_253 = vector.broadcast %and3A_252 : i32 to vector<16xi32>
            %and3A_254 = arith.andi %get3A_245, %and3A_253 : vector<16xi32>
            %add3A_255 = arith.addi %shift_left3A_251, %and3A_254 : vector<16xi32>
            %add3A_256 = vector.broadcast %add3A_173 : i32 to vector<16xi32>
            %add3A_257 = arith.addi %add3A_255, %add3A_256 : vector<16xi32>
            %swap3A_258 = arith.index_cast %scan3A_165 : i32 to index
            %swap3A_259 = arith.index_cast %mul3A_205 : i32 to index
            %swap3A_260 = tpu.vector_load %arg18[%swap3A_258, %swap3A_259] {strides = array<i32>} : memref<64x128xi32, #tpu.memory_space<vmem>>, vector<1x16xi32>,
            %swap3A_261 = vector.shape_cast %swap3A_260 : vector<1x16xi32> to vector<16xi32>
            %swap3A_262 = vector.shape_cast %add3A_257 : vector<16xi32> to vector<1x16xi32>
            tpu.vector_store %arg18[%swap3A_258, %swap3A_259], %swap3A_262 {strides = array<i32>} : memref<64x128xi32, #tpu.memory_space<vmem>>, vector<1x16xi32>,
          }
          %scan3A_179 = arith.constant 8 : i32
          %dma_start3A = arith.constant 0 : i32
          %dma_start3A_180 = tpu.memref_slice %arg20[%scan3A_165, %dma_start3A] : memref<64x128xf32, #tpu.memory_space<vmem>> -> memref<1x128xf32, #tpu.memory_space<vmem>>
          %dma_start3A_181 = tpu.memref_squeeze %dma_start3A_180 : memref<1x128xf32, #tpu.memory_space<vmem>> -> memref<128xf32, #tpu.memory_space<vmem>>
          %dma_start3A_182 = arith.constant 0 : i32
          %dma_start3A_183 = tpu.memref_slice %arg14[%scan3A_165, %dma_start3A_182] : memref<64x128xi32, #tpu.memory_space<vmem>> -> memref<1x128xi32, #tpu.memory_space<vmem>>
          %dma_start3A_184 = tpu.memref_squeeze %dma_start3A_183 : memref<1x128xi32, #tpu.memory_space<vmem>> -> memref<128xi32, #tpu.memory_space<vmem>>
          %dma_start3A_185 = arith.constant 0 : i32
          %dma_start3A_186 = tpu.memref_slice %arg5[%dma_start3A_185] : memref<64004096xf32, #tpu.memory_space<hbm>> -> memref<64004096xf32, #tpu.memory_space<hbm>>
          tpu.enqueue_indirect_dma source(%dma_start3A_186 : memref<64004096xf32, #tpu.memory_space<hbm>>) target(%dma_start3A_181 : memref<128xf32, #tpu.memory_space<vmem>>) offsets(%dma_start3A_184 : memref<128xi32, #tpu.memory_space<vmem>>) semaphore(%arg28 : memref<!tpu.dma_semaphore, #tpu.memory_space<semaphore_mem>>)
          %dma_start3A_187 = arith.constant 0 : i32
          %dma_start3A_188 = tpu.memref_slice %arg22[%scan3A_165, %dma_start3A_187] : memref<64x128xf32, #tpu.memory_space<vmem>> -> memref<1x128xf32, #tpu.memory_space<vmem>>
          %dma_start3A_189 = tpu.memref_squeeze %dma_start3A_188 : memref<1x128xf32, #tpu.memory_space<vmem>> -> memref<128xf32, #tpu.memory_space<vmem>>
          %dma_start3A_190 = arith.constant 0 : i32
          %dma_start3A_191 = tpu.memref_slice %arg16[%scan3A_165, %dma_start3A_190] : memref<64x128xi32, #tpu.memory_space<vmem>> -> memref<1x128xi32, #tpu.memory_space<vmem>>
          %dma_start3A_192 = tpu.memref_squeeze %dma_start3A_191 : memref<1x128xi32, #tpu.memory_space<vmem>> -> memref<128xi32, #tpu.memory_space<vmem>>
          %dma_start3A_193 = arith.constant 0 : i32
          %dma_start3A_194 = tpu.memref_slice %arg6[%dma_start3A_193] : memref<64004096xf32, #tpu.memory_space<hbm>> -> memref<64004096xf32, #tpu.memory_space<hbm>>
          tpu.enqueue_indirect_dma source(%dma_start3A_194 : memref<64004096xf32, #tpu.memory_space<hbm>>) target(%dma_start3A_189 : memref<128xf32, #tpu.memory_space<vmem>>) offsets(%dma_start3A_192 : memref<128xi32, #tpu.memory_space<vmem>>) semaphore(%arg28 : memref<!tpu.dma_semaphore, #tpu.memory_space<semaphore_mem>>)
          %dma_start3A_195 = arith.constant 0 : i32
          %dma_start3A_196 = tpu.memref_slice %arg24[%scan3A_165, %dma_start3A_195] : memref<64x128xf32, #tpu.memory_space<vmem>> -> memref<1x128xf32, #tpu.memory_space<vmem>>
          %dma_start3A_197 = tpu.memref_squeeze %dma_start3A_196 : memref<1x128xf32, #tpu.memory_space<vmem>> -> memref<128xf32, #tpu.memory_space<vmem>>
          %dma_start3A_198 = arith.constant 0 : i32
          %dma_start3A_199 = tpu.memref_slice %arg18[%scan3A_165, %dma_start3A_198] : memref<64x128xi32, #tpu.memory_space<vmem>> -> memref<1x128xi32, #tpu.memory_space<vmem>>
          %dma_start3A_200 = tpu.memref_squeeze %dma_start3A_199 : memref<1x128xi32, #tpu.memory_space<vmem>> -> memref<128xi32, #tpu.memory_space<vmem>>
          %dma_start3A_201 = arith.constant 0 : i32
          %dma_start3A_202 = tpu.memref_slice %arg5[%dma_start3A_201] : memref<64004096xf32, #tpu.memory_space<hbm>> -> memref<64004096xf32, #tpu.memory_space<hbm>>
          tpu.enqueue_indirect_dma source(%dma_start3A_202 : memref<64004096xf32, #tpu.memory_space<hbm>>) target(%dma_start3A_197 : memref<128xf32, #tpu.memory_space<vmem>>) offsets(%dma_start3A_200 : memref<128xi32, #tpu.memory_space<vmem>>) semaphore(%arg28 : memref<!tpu.dma_semaphore, #tpu.memory_space<semaphore_mem>>)
        }
        %scan3A_164 = arith.constant 64 : i32
      } else {
      }
      %scan3A_80 = arith.constant 0 : i32
      %scan3A_81 = arith.constant 0 : i32
      %scan3A_82 = arith.constant 64 : i32
      %scan3A_83 = arith.addi %scan3A_81, %scan3A_82 : i32
      %scan3A_84 = arith.constant 1 : i32
      scf.for %scan3A_124 = %scan3A_81 to %scan3A_83 step %scan3A_84  : i32 {
        %dma_wait3A = arith.constant 0 : i32
        %dma_wait3A_125 = tpu.memref_slice %arg21[%scan3A_124, %dma_wait3A] : memref<64x128xf32, #tpu.memory_space<vmem>> -> memref<1x128xf32, #tpu.memory_space<vmem>>
        %dma_wait3A_126 = tpu.memref_squeeze %dma_wait3A_125 : memref<1x128xf32, #tpu.memory_space<vmem>> -> memref<128xf32, #tpu.memory_space<vmem>>
        %dma_wait3A_127 = arith.constant 0 : i32
        %dma_wait3A_128 = tpu.memref_slice %arg15[%scan3A_124, %dma_wait3A_127] : memref<64x128xi32, #tpu.memory_space<vmem>> -> memref<1x128xi32, #tpu.memory_space<vmem>>
        %dma_wait3A_129 = tpu.memref_squeeze %dma_wait3A_128 : memref<1x128xi32, #tpu.memory_space<vmem>> -> memref<128xi32, #tpu.memory_space<vmem>>
        %dma_wait3A_130 = arith.constant 0 : i32
        %dma_wait3A_131 = tpu.memref_slice %arg5[%dma_wait3A_130] : memref<64004096xf32, #tpu.memory_space<hbm>> -> memref<64004096xf32, #tpu.memory_space<hbm>>
        tpu.wait_indirect_dma semaphore(%arg29 : memref<!tpu.dma_semaphore, #tpu.memory_space<semaphore_mem>>) src(%dma_wait3A_131 : memref<64004096xf32, #tpu.memory_space<hbm>>) dst(%dma_wait3A_126 : memref<128xf32, #tpu.memory_space<vmem>>)
        %dma_wait3A_132 = arith.constant 0 : i32
        %dma_wait3A_133 = tpu.memref_slice %arg23[%scan3A_124, %dma_wait3A_132] : memref<64x128xf32, #tpu.memory_space<vmem>> -> memref<1x128xf32, #tpu.memory_space<vmem>>
        %dma_wait3A_134 = tpu.memref_squeeze %dma_wait3A_133 : memref<1x128xf32, #tpu.memory_space<vmem>> -> memref<128xf32, #tpu.memory_space<vmem>>
        %dma_wait3A_135 = arith.constant 0 : i32
        %dma_wait3A_136 = tpu.memref_slice %arg17[%scan3A_124, %dma_wait3A_135] : memref<64x128xi32, #tpu.memory_space<vmem>> -> memref<1x128xi32, #tpu.memory_space<vmem>>
        %dma_wait3A_137 = tpu.memref_squeeze %dma_wait3A_136 : memref<1x128xi32, #tpu.memory_space<vmem>> -> memref<128xi32, #tpu.memory_space<vmem>>
        %dma_wait3A_138 = arith.constant 0 : i32
        %dma_wait3A_139 = tpu.memref_slice %arg6[%dma_wait3A_138] : memref<64004096xf32, #tpu.memory_space<hbm>> -> memref<64004096xf32, #tpu.memory_space<hbm>>
        tpu.wait_indirect_dma semaphore(%arg29 : memref<!tpu.dma_semaphore, #tpu.memory_space<semaphore_mem>>) src(%dma_wait3A_139 : memref<64004096xf32, #tpu.memory_space<hbm>>) dst(%dma_wait3A_134 : memref<128xf32, #tpu.memory_space<vmem>>)
        %dma_wait3A_140 = arith.constant 0 : i32
        %dma_wait3A_141 = tpu.memref_slice %arg25[%scan3A_124, %dma_wait3A_140] : memref<64x128xf32, #tpu.memory_space<vmem>> -> memref<1x128xf32, #tpu.memory_space<vmem>>
        %dma_wait3A_142 = tpu.memref_squeeze %dma_wait3A_141 : memref<1x128xf32, #tpu.memory_space<vmem>> -> memref<128xf32, #tpu.memory_space<vmem>>
        %dma_wait3A_143 = arith.constant 0 : i32
        %dma_wait3A_144 = tpu.memref_slice %arg19[%scan3A_124, %dma_wait3A_143] : memref<64x128xi32, #tpu.memory_space<vmem>> -> memref<1x128xi32, #tpu.memory_space<vmem>>
        %dma_wait3A_145 = tpu.memref_squeeze %dma_wait3A_144 : memref<1x128xi32, #tpu.memory_space<vmem>> -> memref<128xi32, #tpu.memory_space<vmem>>
        %dma_wait3A_146 = arith.constant 0 : i32
        %dma_wait3A_147 = tpu.memref_slice %arg5[%dma_wait3A_146] : memref<64004096xf32, #tpu.memory_space<hbm>> -> memref<64004096xf32, #tpu.memory_space<hbm>>
        tpu.wait_indirect_dma semaphore(%arg29 : memref<!tpu.dma_semaphore, #tpu.memory_space<semaphore_mem>>) src(%dma_wait3A_147 : memref<64004096xf32, #tpu.memory_space<hbm>>) dst(%dma_wait3A_142 : memref<128xf32, #tpu.memory_space<vmem>>)
      }
      %scan3A_85 = arith.constant 64 : i32
      %jit3A_86 = arith.constant 4 : i32
      %div3A_87 = arith.divsi %add3A_72, %jit3A_86 : i32
      %sign3A_88 = arith.constant 0 : i32
      %sign3A_89 = arith.cmpi sgt, %add3A_72, %sign3A_88 : i32
      %sign3A_90 = arith.extui %sign3A_89 : i1 to i32
      %sign3A_91 = arith.constant 0 : i32
      %sign3A_92 = arith.cmpi slt, %add3A_72, %sign3A_91 : i32
      %sign3A_93 = arith.extui %sign3A_92 : i1 to i32
      %sign3A_94 = arith.subi %sign3A_90, %sign3A_93 : i32
      %sign3A_95 = arith.constant 0 : i32
      %sign3A_96 = arith.cmpi sgt, %jit3A_86, %sign3A_95 : i32
      %sign3A_97 = arith.extui %sign3A_96 : i1 to i32
      %sign3A_98 = arith.constant 0 : i32
      %sign3A_99 = arith.cmpi slt, %jit3A_86, %sign3A_98 : i32
      %sign3A_100 = arith.extui %sign3A_99 : i1 to i32
      %sign3A_101 = arith.subi %sign3A_97, %sign3A_100 : i32
      %ne3A_102 = arith.cmpi ne, %sign3A_94, %sign3A_101 : i32
      %rem3A_103 = arith.remsi %add3A_72, %jit3A_86 : i32
      %ne3A_104 = arith.constant 0 : i32
      %ne3A_105 = arith.cmpi ne, %rem3A_103, %ne3A_104 : i32
      %and3A_106 = arith.andi %ne3A_102, %ne3A_105 : i1
      %sub3A_107 = arith.constant 1 : i32
      %sub3A_108 = arith.subi %div3A_87, %sub3A_107 : i32
      %select_n3A_109 = arith.select %and3A_106, %sub3A_108, %div3A_87 : i32
      %mul3A_110 = arith.constant 4 : i32
      %mul3A_111 = arith.muli %select_n3A_109, %mul3A_110 : i32
      %sub3A_112 = arith.subi %add3A_72, %mul3A_111 : i32
      %mul3A_113 = arith.constant 512 : i32
      %mul3A_114 = arith.muli %select_n3A_109, %mul3A_113 : i32
      %mul3A_115 = arith.constant 128 : i32
      %mul3A_116 = arith.muli %sub3A_112, %mul3A_115 : i32
      %add3A_117 = arith.addi %mul3A_114, %mul3A_116 : i32
      %scan3A_118 = arith.constant 0 : i32
      %scan3A_119 = arith.constant 0 : i32
      %scan3A_120 = arith.constant 8 : i32
      %scan3A_121 = arith.addi %scan3A_119, %scan3A_120 : i32
      %scan3A_122 = arith.constant 1 : i32
      scf.for %scan3A_124 = %scan3A_119 to %scan3A_121 step %scan3A_122  : i32 {
        %mul3A_125 = arith.constant 16 : i32
        %mul3A_126 = arith.muli %scan3A_124, %mul3A_125 : i32
        %broadcast_in_dim3A = arith.constant 0.000000e+00 : f32
        %broadcast_in_dim3A_127 = vector.broadcast %broadcast_in_dim3A : f32 to vector<16xf32>
        %scan3A_128 = arith.constant 0 : i32
        %scan3A_129 = arith.constant 64 : i32
        %scan3A_130 = arith.addi %scan3A_128, %scan3A_129 : i32
        %scan3A_131 = arith.constant 1 : i32
        %scan3A_132:6 = scf.for %scan3A_285 = %scan3A_128 to %scan3A_130 step %scan3A_131 iter_args(%scan3A_286 = %broadcast_in_dim3A_127, %scan3A_287 = %broadcast_in_dim3A_127, %scan3A_288 = %broadcast_in_dim3A_127, %scan3A_289 = %broadcast_in_dim3A_127, %scan3A_290 = %broadcast_in_dim3A_127, %scan3A_291 = %broadcast_in_dim3A_127) -> (vector<16xf32>, vector<16xf32>, vector<16xf32>, vector<16xf32>, vector<16xf32>, vector<16xf32>)  : i32 {
          %get3A_292 = arith.index_cast %scan3A_285 : i32 to index
          %get3A_293 = arith.index_cast %mul3A_126 : i32 to index
          %get3A_294 = tpu.vector_load %arg21[%get3A_292, %get3A_293] {strides = array<i32>} : memref<64x128xf32, #tpu.memory_space<vmem>>, vector<1x16xf32>,
          %get3A_295 = vector.shape_cast %get3A_294 : vector<1x16xf32> to vector<16xf32>
          %get3A_296 = arith.index_cast %scan3A_285 : i32 to index
          %get3A_297 = arith.index_cast %mul3A_126 : i32 to index
          %get3A_298 = tpu.vector_load %arg23[%get3A_296, %get3A_297] {strides = array<i32>} : memref<64x128xf32, #tpu.memory_space<vmem>>, vector<1x16xf32>,
          %get3A_299 = vector.shape_cast %get3A_298 : vector<1x16xf32> to vector<16xf32>
          %get3A_300 = arith.index_cast %scan3A_285 : i32 to index
          %get3A_301 = arith.index_cast %mul3A_126 : i32 to index
          %get3A_302 = tpu.vector_load %arg25[%get3A_300, %get3A_301] {strides = array<i32>} : memref<64x128xf32, #tpu.memory_space<vmem>>, vector<1x16xf32>,
          %get3A_303 = vector.shape_cast %get3A_302 : vector<1x16xf32> to vector<16xf32>
          %mul3A_304 = arith.mulf %get3A_295, %get3A_295 : vector<16xf32>
          %add3A_305 = arith.addf %scan3A_286, %mul3A_304 : vector<16xf32>
          %mul3A_306 = arith.mulf %get3A_303, %get3A_303 : vector<16xf32>
          %add3A_307 = arith.addf %scan3A_287, %mul3A_306 : vector<16xf32>
          %mul3A_308 = arith.mulf %get3A_299, %get3A_299 : vector<16xf32>
          %add3A_309 = arith.addf %scan3A_288, %mul3A_308 : vector<16xf32>
          %mul3A_310 = arith.mulf %get3A_295, %get3A_299 : vector<16xf32>
          %add3A_311 = arith.addf %scan3A_289, %mul3A_310 : vector<16xf32>
          %mul3A_312 = arith.mulf %get3A_295, %get3A_303 : vector<16xf32>
          %add3A_313 = arith.addf %scan3A_290, %mul3A_312 : vector<16xf32>
          %mul3A_314 = arith.mulf %get3A_299, %get3A_303 : vector<16xf32>
          %add3A_315 = arith.addf %scan3A_291, %mul3A_314 : vector<16xf32>
          scf.yield %add3A_305, %add3A_307, %add3A_309, %add3A_311, %add3A_313, %add3A_315 : vector<16xf32>, vector<16xf32>, vector<16xf32>, vector<16xf32>, vector<16xf32>, vector<16xf32>
        }
        %scan3A_133 = arith.constant 64 : i32
        %broadcast_in_dim3A_134 = arith.constant 999999 : i32
        %broadcast_in_dim3A_135 = vector.broadcast %broadcast_in_dim3A_134 : i32 to vector<16xi32>
        %broadcast_in_dim3A_136 = arith.constant 1.000000e+00 : f32
        %broadcast_in_dim3A_137 = vector.broadcast %broadcast_in_dim3A_136 : f32 to vector<16xf32>
        %get3A = arith.index_cast %mul3A_126 : i32 to index
        %get3A_138 = tpu.vector_load %arg9[%get3A] {strides = array<i32>} : memref<128xi32, #tpu.memory_space<vmem>>, vector<16xi32>,
        %get3A_139 = vector.shape_cast %get3A_138 : vector<16xi32> to vector<16xi32>
        %eq3A = arith.cmpi eq, %get3A_139, %broadcast_in_dim3A_135 : vector<16xi32>
        %select_n3A_140 = arith.select %eq3A, %broadcast_in_dim3A_137, %broadcast_in_dim3A_127 : vector<16xi1>, vector<16xf32>
        %get3A_141 = arith.index_cast %mul3A_126 : i32 to index
        %get3A_142 = tpu.vector_load %arg13[%get3A_141] {strides = array<i32>} : memref<128xi32, #tpu.memory_space<vmem>>, vector<16xi32>,
        %get3A_143 = vector.shape_cast %get3A_142 : vector<16xi32> to vector<16xi32>
        %eq3A_144 = arith.cmpi eq, %get3A_143, %broadcast_in_dim3A_135 : vector<16xi32>
        %select_n3A_145 = arith.select %eq3A_144, %broadcast_in_dim3A_137, %broadcast_in_dim3A_127 : vector<16xi1>, vector<16xf32>
        %bitcast_convert_type3A = tpu.bitcast %scan3A_132#0 : vector<16xf32> -> vector<16xi32>
        %shift_right_arithmetic3A = arith.constant 1 : i32
        %shift_right_arithmetic3A_146 = vector.broadcast %shift_right_arithmetic3A : i32 to vector<16xi32>
        %shift_right_arithmetic3A_147 = arith.shrsi %bitcast_convert_type3A, %shift_right_arithmetic3A_146 : vector<16xi32>
        %sub3A_148 = arith.constant 1597463007 : i32
        %sub3A_149 = vector.broadcast %sub3A_148 : i32 to vector<16xi32>
        %sub3A_150 = arith.subi %sub3A_149, %shift_right_arithmetic3A_147 : vector<16xi32>
        %bitcast_convert_type3A_151 = tpu.bitcast %sub3A_150 : vector<16xi32> -> vector<16xf32>
        %mul3A_152 = arith.constant 5.000000e-01 : f32
        %mul3A_153 = vector.broadcast %mul3A_152 : f32 to vector<16xf32>
        %mul3A_154 = arith.mulf %mul3A_153, %scan3A_132#0 : vector<16xf32>
        %mul3A_155 = arith.mulf %mul3A_154, %bitcast_convert_type3A_151 : vector<16xf32>
        %mul3A_156 = arith.mulf %mul3A_155, %bitcast_convert_type3A_151 : vector<16xf32>
        %sub3A_157 = arith.constant 1.500000e+00 : f32
        %sub3A_158 = vector.broadcast %sub3A_157 : f32 to vector<16xf32>
        %sub3A_159 = arith.subf %sub3A_158, %mul3A_156 : vector<16xf32>
        %mul3A_160 = arith.mulf %bitcast_convert_type3A_151, %sub3A_159 : vector<16xf32>
        %mul3A_161 = arith.constant 5.000000e-01 : f32
        %mul3A_162 = vector.broadcast %mul3A_161 : f32 to vector<16xf32>
        %mul3A_163 = arith.mulf %mul3A_162, %scan3A_132#0 : vector<16xf32>
        %mul3A_164 = arith.mulf %mul3A_163, %mul3A_160 : vector<16xf32>
        %mul3A_165 = arith.mulf %mul3A_164, %mul3A_160 : vector<16xf32>
        %sub3A_166 = arith.constant 1.500000e+00 : f32
        %sub3A_167 = vector.broadcast %sub3A_166 : f32 to vector<16xf32>
        %sub3A_168 = arith.subf %sub3A_167, %mul3A_165 : vector<16xf32>
        %mul3A_169 = arith.mulf %mul3A_160, %sub3A_168 : vector<16xf32>
        %mul3A_170 = arith.constant 5.000000e-01 : f32
        %mul3A_171 = vector.broadcast %mul3A_170 : f32 to vector<16xf32>
        %mul3A_172 = arith.mulf %mul3A_171, %scan3A_132#0 : vector<16xf32>
        %mul3A_173 = arith.mulf %mul3A_172, %mul3A_169 : vector<16xf32>
        %mul3A_174 = arith.mulf %mul3A_173, %mul3A_169 : vector<16xf32>
        %sub3A_175 = arith.constant 1.500000e+00 : f32
        %sub3A_176 = vector.broadcast %sub3A_175 : f32 to vector<16xf32>
        %sub3A_177 = arith.subf %sub3A_176, %mul3A_174 : vector<16xf32>
        %mul3A_178 = arith.mulf %mul3A_169, %sub3A_177 : vector<16xf32>
        %sub3A_179 = arith.constant 1.000000e+00 : f32
        %sub3A_180 = vector.broadcast %sub3A_179 : f32 to vector<16xf32>
        %sub3A_181 = arith.subf %sub3A_180, %mul3A_178 : vector<16xf32>
        %mul3A_182 = arith.mulf %select_n3A_140, %sub3A_181 : vector<16xf32>
        %add3A_183 = arith.addf %mul3A_178, %mul3A_182 : vector<16xf32>
        %bitcast_convert_type3A_184 = tpu.bitcast %scan3A_132#1 : vector<16xf32> -> vector<16xi32>
        %shift_right_arithmetic3A_185 = arith.constant 1 : i32
        %shift_right_arithmetic3A_186 = vector.broadcast %shift_right_arithmetic3A_185 : i32 to vector<16xi32>
        %shift_right_arithmetic3A_187 = arith.shrsi %bitcast_convert_type3A_184, %shift_right_arithmetic3A_186 : vector<16xi32>
        %sub3A_188 = arith.constant 1597463007 : i32
        %sub3A_189 = vector.broadcast %sub3A_188 : i32 to vector<16xi32>
        %sub3A_190 = arith.subi %sub3A_189, %shift_right_arithmetic3A_187 : vector<16xi32>
        %bitcast_convert_type3A_191 = tpu.bitcast %sub3A_190 : vector<16xi32> -> vector<16xf32>
        %mul3A_192 = arith.constant 5.000000e-01 : f32
        %mul3A_193 = vector.broadcast %mul3A_192 : f32 to vector<16xf32>
        %mul3A_194 = arith.mulf %mul3A_193, %scan3A_132#1 : vector<16xf32>
        %mul3A_195 = arith.mulf %mul3A_194, %bitcast_convert_type3A_191 : vector<16xf32>
        %mul3A_196 = arith.mulf %mul3A_195, %bitcast_convert_type3A_191 : vector<16xf32>
        %sub3A_197 = arith.constant 1.500000e+00 : f32
        %sub3A_198 = vector.broadcast %sub3A_197 : f32 to vector<16xf32>
        %sub3A_199 = arith.subf %sub3A_198, %mul3A_196 : vector<16xf32>
        %mul3A_200 = arith.mulf %bitcast_convert_type3A_191, %sub3A_199 : vector<16xf32>
        %mul3A_201 = arith.constant 5.000000e-01 : f32
        %mul3A_202 = vector.broadcast %mul3A_201 : f32 to vector<16xf32>
        %mul3A_203 = arith.mulf %mul3A_202, %scan3A_132#1 : vector<16xf32>
        %mul3A_204 = arith.mulf %mul3A_203, %mul3A_200 : vector<16xf32>
        %mul3A_205 = arith.mulf %mul3A_204, %mul3A_200 : vector<16xf32>
        %sub3A_206 = arith.constant 1.500000e+00 : f32
        %sub3A_207 = vector.broadcast %sub3A_206 : f32 to vector<16xf32>
        %sub3A_208 = arith.subf %sub3A_207, %mul3A_205 : vector<16xf32>
        %mul3A_209 = arith.mulf %mul3A_200, %sub3A_208 : vector<16xf32>
        %mul3A_210 = arith.constant 5.000000e-01 : f32
        %mul3A_211 = vector.broadcast %mul3A_210 : f32 to vector<16xf32>
        %mul3A_212 = arith.mulf %mul3A_211, %scan3A_132#1 : vector<16xf32>
        %mul3A_213 = arith.mulf %mul3A_212, %mul3A_209 : vector<16xf32>
        %mul3A_214 = arith.mulf %mul3A_213, %mul3A_209 : vector<16xf32>
        %sub3A_215 = arith.constant 1.500000e+00 : f32
        %sub3A_216 = vector.broadcast %sub3A_215 : f32 to vector<16xf32>
        %sub3A_217 = arith.subf %sub3A_216, %mul3A_214 : vector<16xf32>
        %mul3A_218 = arith.mulf %mul3A_209, %sub3A_217 : vector<16xf32>
        %sub3A_219 = arith.constant 1.000000e+00 : f32
        %sub3A_220 = vector.broadcast %sub3A_219 : f32 to vector<16xf32>
        %sub3A_221 = arith.subf %sub3A_220, %mul3A_218 : vector<16xf32>
        %mul3A_222 = arith.mulf %select_n3A_145, %sub3A_221 : vector<16xf32>
        %add3A_223 = arith.addf %mul3A_218, %mul3A_222 : vector<16xf32>
        %mul3A_224 = arith.mulf %add3A_183, %add3A_183 : vector<16xf32>
        %mul3A_225 = arith.mulf %scan3A_132#0, %mul3A_224 : vector<16xf32>
        %add3A_226 = arith.addf %mul3A_225, %scan3A_132#2 : vector<16xf32>
        %mul3A_227 = arith.mulf %add3A_223, %add3A_223 : vector<16xf32>
        %mul3A_228 = arith.mulf %scan3A_132#1, %mul3A_227 : vector<16xf32>
        %add3A_229 = arith.addf %add3A_226, %mul3A_228 : vector<16xf32>
        %mul3A_230 = arith.mulf %add3A_183, %scan3A_132#3 : vector<16xf32>
        %mul3A_231 = arith.mulf %add3A_183, %add3A_223 : vector<16xf32>
        %mul3A_232 = arith.mulf %mul3A_231, %scan3A_132#4 : vector<16xf32>
        %sub3A_233 = arith.subf %mul3A_230, %mul3A_232 : vector<16xf32>
        %mul3A_234 = arith.mulf %add3A_223, %scan3A_132#5 : vector<16xf32>
        %sub3A_235 = arith.subf %sub3A_233, %mul3A_234 : vector<16xf32>
        %mul3A_236 = arith.constant 2.000000e+00 : f32
        %mul3A_237 = vector.broadcast %mul3A_236 : f32 to vector<16xf32>
        %mul3A_238 = arith.mulf %mul3A_237, %sub3A_235 : vector<16xf32>
        %add3A_239 = arith.addf %add3A_229, %mul3A_238 : vector<16xf32>
        %max3A = arith.constant 0.000000e+00 : f32
        %max3A_240 = vector.broadcast %max3A : f32 to vector<16xf32>
        %max3A_241 = arith.maximumf %add3A_239, %max3A_240 : vector<16xf32>
        %gt3A = arith.constant 0.000000e+00 : f32
        %gt3A_242 = vector.broadcast %gt3A : f32 to vector<16xf32>
        %gt3A_243 = arith.cmpf ogt, %max3A_241, %gt3A_242 : vector<16xf32>
        %bitcast_convert_type3A_244 = tpu.bitcast %max3A_241 : vector<16xf32> -> vector<16xi32>
        %shift_right_arithmetic3A_245 = arith.constant 1 : i32
        %shift_right_arithmetic3A_246 = vector.broadcast %shift_right_arithmetic3A_245 : i32 to vector<16xi32>
        %shift_right_arithmetic3A_247 = arith.shrsi %bitcast_convert_type3A_244, %shift_right_arithmetic3A_246 : vector<16xi32>
        %sub3A_248 = arith.constant 1597463007 : i32
        %sub3A_249 = vector.broadcast %sub3A_248 : i32 to vector<16xi32>
        %sub3A_250 = arith.subi %sub3A_249, %shift_right_arithmetic3A_247 : vector<16xi32>
        %bitcast_convert_type3A_251 = tpu.bitcast %sub3A_250 : vector<16xi32> -> vector<16xf32>
        %mul3A_252 = arith.constant 5.000000e-01 : f32
        %mul3A_253 = vector.broadcast %mul3A_252 : f32 to vector<16xf32>
        %mul3A_254 = arith.mulf %mul3A_253, %max3A_241 : vector<16xf32>
        %mul3A_255 = arith.mulf %mul3A_254, %bitcast_convert_type3A_251 : vector<16xf32>
        %mul3A_256 = arith.mulf %mul3A_255, %bitcast_convert_type3A_251 : vector<16xf32>
        %sub3A_257 = arith.constant 1.500000e+00 : f32
        %sub3A_258 = vector.broadcast %sub3A_257 : f32 to vector<16xf32>
        %sub3A_259 = arith.subf %sub3A_258, %mul3A_256 : vector<16xf32>
        %mul3A_260 = arith.mulf %bitcast_convert_type3A_251, %sub3A_259 : vector<16xf32>
        %mul3A_261 = arith.constant 5.000000e-01 : f32
        %mul3A_262 = vector.broadcast %mul3A_261 : f32 to vector<16xf32>
        %mul3A_263 = arith.mulf %mul3A_262, %max3A_241 : vector<16xf32>
        %mul3A_264 = arith.mulf %mul3A_263, %mul3A_260 : vector<16xf32>
        %mul3A_265 = arith.mulf %mul3A_264, %mul3A_260 : vector<16xf32>
        %sub3A_266 = arith.constant 1.500000e+00 : f32
        %sub3A_267 = vector.broadcast %sub3A_266 : f32 to vector<16xf32>
        %sub3A_268 = arith.subf %sub3A_267, %mul3A_265 : vector<16xf32>
        %mul3A_269 = arith.mulf %mul3A_260, %sub3A_268 : vector<16xf32>
        %mul3A_270 = arith.constant 5.000000e-01 : f32
        %mul3A_271 = vector.broadcast %mul3A_270 : f32 to vector<16xf32>
        %mul3A_272 = arith.mulf %mul3A_271, %max3A_241 : vector<16xf32>
        %mul3A_273 = arith.mulf %mul3A_272, %mul3A_269 : vector<16xf32>
        %mul3A_274 = arith.mulf %mul3A_273, %mul3A_269 : vector<16xf32>
        %sub3A_275 = arith.constant 1.500000e+00 : f32
        %sub3A_276 = vector.broadcast %sub3A_275 : f32 to vector<16xf32>
        %sub3A_277 = arith.subf %sub3A_276, %mul3A_274 : vector<16xf32>
        %mul3A_278 = arith.mulf %mul3A_269, %sub3A_277 : vector<16xf32>
        %mul3A_279 = arith.mulf %max3A_241, %mul3A_278 : vector<16xf32>
        %select_n3A_280 = arith.select %gt3A_243, %mul3A_279, %broadcast_in_dim3A_127 : vector<16xi1>, vector<16xf32>
        %add3A_281 = arith.addi %add3A_117, %mul3A_126 : i32
        %swap3A = arith.index_cast %add3A_281 : i32 to index
        %swap3A_282 = tpu.vector_load %arg26[%swap3A] {strides = array<i32>} : memref<1024xf32, #tpu.memory_space<vmem>>, vector<16xf32>,
        %swap3A_283 = vector.shape_cast %swap3A_282 : vector<16xf32> to vector<16xf32>
        %swap3A_284 = vector.shape_cast %select_n3A_280 : vector<16xf32> to vector<16xf32>
        tpu.vector_store %arg26[%swap3A], %swap3A_284 {strides = array<i32>} : memref<1024xf32, #tpu.memory_space<vmem>>, vector<16xf32>,
      }
      %scan3A_123 = arith.constant 8 : i32
    }
    %scan3A_17 = arith.constant 4 : i32
    %scan3A_18 = arith.constant 0 : i32
    %scan3A_19 = arith.constant 0 : i32
    %scan3A_20 = arith.constant 32 : i32
    %scan3A_21 = arith.addi %scan3A_19, %scan3A_20 : i32
    %scan3A_22 = arith.constant 1 : i32
    scf.for %scan3A_24 = %scan3A_19 to %scan3A_21 step %scan3A_22  : i32 {
      %mul3A_25 = arith.constant 16 : i32
      %mul3A_26 = arith.muli %scan3A_24, %mul3A_25 : i32
      %get3A = arith.index_cast %mul3A_26 : i32 to index
      %get3A_27 = tpu.vector_load %arg26[%get3A] {strides = array<i32>} : memref<1024xf32, #tpu.memory_space<vmem>>, vector<16xf32>,
      %get3A_28 = vector.shape_cast %get3A_27 : vector<16xf32> to vector<16xf32>
      %add3A_29 = arith.constant 512 : i32
      %add3A_30 = arith.addi %add3A_29, %mul3A_26 : i32
      %get3A_31 = arith.index_cast %add3A_30 : i32 to index
      %get3A_32 = tpu.vector_load %arg26[%get3A_31] {strides = array<i32>} : memref<1024xf32, #tpu.memory_space<vmem>>, vector<16xf32>,
      %get3A_33 = vector.shape_cast %get3A_32 : vector<16xf32> to vector<16xf32>
      %sub3A = arith.subf %get3A_28, %get3A_33 : vector<16xf32>
      %add3A_34 = arith.constant 1.000000e+00 : f32
      %add3A_35 = vector.broadcast %add3A_34 : f32 to vector<16xf32>
      %add3A_36 = arith.addf %sub3A, %add3A_35 : vector<16xf32>
      %max3A = arith.constant 0.000000e+00 : f32
      %max3A_37 = vector.broadcast %max3A : f32 to vector<16xf32>
      %max3A_38 = arith.maximumf %add3A_36, %max3A_37 : vector<16xf32>
      %swap3A = arith.index_cast %mul3A_26 : i32 to index
      %swap3A_39 = tpu.vector_load %arg27[%swap3A] {strides = array<i32>} : memref<512xf32, #tpu.memory_space<vmem>>, vector<16xf32>,
      %swap3A_40 = vector.shape_cast %swap3A_39 : vector<16xf32> to vector<16xf32>
      %swap3A_41 = vector.shape_cast %max3A_38 : vector<16xf32> to vector<16xf32>
      tpu.vector_store %arg27[%swap3A], %swap3A_41 {strides = array<i32>} : memref<512xf32, #tpu.memory_space<vmem>>, vector<16xf32>,
    }
    %scan3A_23 = arith.constant 32 : i32
    "tpu.region"() ({
      %run_scoped3A = tpu.sem_alloc : memref<!tpu.dma_semaphore, #tpu.memory_space<semaphore_mem>>
      %dma_start3A = tpu.memref_slice %arg7[%mul3A_2] : memref<16384xf32, #tpu.memory_space<hbm>> -> memref<512xf32, #tpu.memory_space<hbm>>
      %dma_start3A_24 = tpu.memref_slice %arg7[%mul3A_2] : memref<16384xf32, #tpu.memory_space<hbm>> -> memref<512xf32, #tpu.memory_space<hbm>>
      tpu.enqueue_dma source(%arg27 : memref<512xf32, #tpu.memory_space<vmem>>) target(%dma_start3A_24 : memref<512xf32, #tpu.memory_space<hbm>>) target_semaphore(%run_scoped3A : memref<!tpu.dma_semaphore, #tpu.memory_space<semaphore_mem>>)
      %dma_wait3A = tpu.memref_slice %arg7[%mul3A_2] : memref<16384xf32, #tpu.memory_space<hbm>> -> memref<512xf32, #tpu.memory_space<hbm>>
      %dma_wait3A_25 = tpu.memref_slice %arg7[%mul3A_2] : memref<16384xf32, #tpu.memory_space<hbm>> -> memref<512xf32, #tpu.memory_space<hbm>>
      tpu.wait_dma2 semaphore(%run_scoped3A : memref<!tpu.dma_semaphore, #tpu.memory_space<semaphore_mem>>) src(%arg27 : memref<512xf32, #tpu.memory_space<vmem>>) dst(%dma_wait3A_25 : memref<512xf32, #tpu.memory_space<hbm>>)
      tpu.yield
    }) : () -> ()
    return
  }
}

</mosaic_0001>

<sc_bundles>
// kernel: kernel.3.cloned.1.call-start
scs
__scs_entry_jumppad:
0x0: {  	(pc) =	sbr.rel $0x88, $3  }
0x1: {  	(tag) =	ssettag $0x0;
	lr =	simm.s32 $0x1  }
0x2: {  	[smem:$0x3F9D] =	sst lr;
	_ =	strace $0xD0000000  }
0x3: {  	_ = 	snop  }
0x4: {  	_ = 	snop  }
0x5: {  	_ = 	snop  }
0x6: {  	_ = 	snop  }
0x7: {  	_ = 	snop  }
__scs_overlays_trampoline_lowered:
0x8: {  	[smem:$0x3FAC] =	sst s0  }
0x9: {  	[smem:$0x3FAD] =	sst s1  }
0xa: {  	[smem:$0x3FAE] =	sst s2  }
0xb: {  	[smem:$0x3FAF] =	sst s3  }
0xc: {  	[smem:$0x3FB0] =	sst s4  }
0xd: {  	[smem:$0x3FB1] =	sst s5  }
0xe: {  	[smem:$0x3FB2] =	sst s6  }
0xf: {  	[smem:$0x3FB3] =	sst s7  }
0x10: {  	[smem:$0x3FB4] =	sst s8  }
0x11: {  	[smem:$0x3FB5] =	sst s9;
	s0 =	simm.s32 @!p0 $0x0  }
0x12: {  	s1 =	sld [smem:$0x3F9B];
	s0 =	simm.s32 @p0 $0x1  }
0x13: {  	[smem:$0x3FB6] =	sst s0;
	s0 =	simm.s32 @!p1 $0x0  }
0x14: {  	s2 =	sld [smem:$0x3F9A];
	s0 =	simm.s32 @p1 $0x1  }
0x15: {  	[smem:$0x3FB7] =	sst s0;
	s0 =	simm.s32 @!p2 $0x0  }
0x16: {  	s3 =	sld [smem:$0x3FDB];
	s0 =	simm.s32 @p2 $0x1  }
0x17: {  	s4 =	simm.s32 $0x1BF5;
	[smem:$0x3FB9] =	sst s0  }
0x18: {  	s0 =	sld [smem:$0x3F9C];
	_ =	swait.ge [sflag:s4], $0x0  }
0x19: {  	s7 =	sld [smem:$0x3F9D]  }
0x1a: {  	s8 =	sadd.s32 $0xFFFFE003, lr  }
0x1b: {  	s9 =	sadd.s32 $0xFFFFFEF7, lr;
	s5 =	simm.s32 $0xFFFFFFFF;
	p2 =	slt.u32 s8, $0xFFFFF086  }
0x1c: {  	p1 =	slt.u32 s9, $0xF7A;
	s5 =	simm.s32 @!p2 $0x0  }
0x1d: {  	s5 =	simm.s32 @p1 $0x1;
	p0 =	seq.s32 s7, s2  }
0x1e: {  	s7 =	smul.u32 @!p0 $0xF7A, s2;
	p2 =	seq.s32 @!p0 s5, $0x0  }
0x1f: {  	s9 =	smul.u32 $0xF7A, s1;
	s8 =	simm.s32 @!p0 $0x1BF5;
	p2 =	por !p2, p0  }
0x20: {  	[sflag:s8] =	ssyncset.s32 @!p0 $0xFFFFF086;
	s6 =	sadd.s32 @!p0 s3, s7;
	s7 =	simm.s32 @!p0 $0x108  }
0x21: {  	s3 =	sadd.s32 s3, s9;
	s6 =	sadd.s32 @!p0 $0x88, s6;
	s7 =	simm.s32 @p2 $0x1082  }
0x22: {  	[simem:s7], [sflag:s8] =	dma.local @!p0 [hbm:s6], $0xF7A  }
0x23: {  	s9 =	sor.u32 $0xD0000000, s2;
	s6 =	simm.s32 $0x108;
	_ =	swait.ge @!p0 [sflag:s8], $0x0  }
0x24: {  	s3 =	sadd.s32 $0x88, s3;
	s6 =	simm.s32 @!p1 $0x1082;
	[sflag:s4] =	ssyncset.s32 $0xFFFFF086  }
0x25: {  	[simem:s6], [sflag:s4] =	dma.local [hbm:s3], $0xF7A  }
0x26: {  	[smem:$0x3F9D] =	sst s1;
	(tag) =	ssettag s2;
	_ =	strace s9  }
0x27: {  	s1 =	sld [smem:$0x3FAD]  }
0x28: {  	s2 =	sld [smem:$0x3FAE]  }
0x29: {  	s4 =	sld [smem:$0x3FB0]  }
0x2a: {  	p0 =	seq.s32 s5, $0x0;
	s5 =	sld [smem:$0x3FB1]  }
0x2b: {  	s6 =	sld [smem:$0x3FB2]  }
0x2c: {  	s7 =	sld [smem:$0x3FB3]  }
0x2d: {  	s3 =	simm.s32 $0x108;
	s8 =	sld [smem:$0x3FB4]  }
0x2e: {  	s3 =	simm.s32 @!p0 $0x1082;
	s9 =	sld [smem:$0x3FB5]  }
0x2f: {  	lr =	sadd.s32 s0, s3;
	s0 =	sld [smem:$0x3FAC]  }
0x30: {  	s3 =	sld [smem:$0x3FAF]  }
0x31: {  	[smem:$0x3FB8] =	sst s10  }
0x32: {  	s10 =	sld [smem:$0x3FB6];
	_ =	sdelay $0x3  }
0x33: {  	p0 =	seq.s32 s10, $0x1;
	s10 =	sld [smem:$0x3FB8];
	_ =	sdelay $0x3  }
0x34: {  	[smem:$0x3FB8] =	sst s10  }
0x35: {  	s10 =	sld [smem:$0x3FB7];
	_ =	sdelay $0x3  }
0x36: {  	p1 =	seq.s32 s10, $0x1;
	s10 =	sld [smem:$0x3FB8];
	_ =	sdelay $0x3  }
0x37: {  	[smem:$0x3FB8] =	sst s10  }
0x38: {  	s10 =	sld [smem:$0x3FB9]  }
0x39: {  	_ = 	snop;
	(pc) =	sbr.ind lr, $3  }
0x3a: {  	_ = 	snop  }
0x3b: {  	_ = 	snop  }
0x3c: {  	p2 =	seq.s32 s10, $0x1;
	s10 =	sld [smem:$0x3FB8]  }
0x3d: {  	_ =	shalt  }
0x3e: {  	_ =	shalt  }
0x3f: {  	_ =	shalt  }
0x40: {  	_ =	shalt  }
0x41: {  	_ =	shalt  }
0x42: {  	_ =	shalt  }
0x43: {  	_ =	shalt  }
0x44: {  	_ =	shalt  }
0x45: {  	_ =	shalt  }
0x46: {  	_ =	shalt  }
0x47: {  	_ =	shalt  }
0x48: {  	_ =	shalt  }
0x49: {  	_ =	shalt  }
0x4a: {  	_ =	shalt  }
0x4b: {  	_ =	shalt  }
0x4c: {  	_ =	shalt  }
0x4d: {  	_ =	shalt  }
0x4e: {  	_ =	shalt  }
0x4f: {  	_ =	shalt  }
0x50: {  	_ =	shalt  }
0x51: {  	_ =	shalt  }
0x52: {  	_ =	shalt  }
0x53: {  	_ =	shalt  }
0x54: {  	_ =	shalt  }
0x55: {  	_ =	shalt  }
0x56: {  	_ =	shalt  }
0x57: {  	_ =	shalt  }
0x58: {  	_ =	shalt  }
0x59: {  	_ =	shalt  }
0x5a: {  	_ =	shalt  }
0x5b: {  	_ =	shalt  }
0x5c: {  	_ =	shalt  }
0x5d: {  	_ =	shalt  }
0x5e: {  	_ =	shalt  }
0x5f: {  	_ =	shalt  }
0x60: {  	_ =	shalt  }
0x61: {  	_ =	shalt  }
0x62: {  	_ =	shalt  }
0x63: {  	_ =	shalt  }
0x64: {  	_ =	shalt  }
0x65: {  	_ =	shalt  }
0x66: {  	_ =	shalt  }
0x67: {  	_ =	shalt  }
0x68: {  	_ =	shalt  }
0x69: {  	_ =	shalt  }
0x6a: {  	_ =	shalt  }
0x6b: {  	_ =	shalt  }
0x6c: {  	_ =	shalt  }
0x6d: {  	_ =	shalt  }
0x6e: {  	_ =	shalt  }
0x6f: {  	_ =	shalt  }
0x70: {  	_ =	shalt  }
0x71: {  	_ =	shalt  }
0x72: {  	_ =	shalt  }
0x73: {  	_ =	shalt  }
0x74: {  	_ =	shalt  }
0x75: {  	_ =	shalt  }
0x76: {  	_ =	shalt  }
0x77: {  	_ =	shalt  }
0x78: {  	_ =	shalt  }
0x79: {  	_ =	shalt  }
0x7a: {  	_ =	shalt  }
0x7b: {  	_ =	shalt  }
0x7c: {  	_ =	shalt  }
0x7d: {  	_ =	shalt  }
0x7e: {  	_ =	shalt  }
0x7f: {  	_ =	shalt  }
0x80: {  	_ =	shalt  }
0x81: {  	_ =	shalt  }
0x82: {  	_ =	shalt  }
0x83: {  	_ =	shalt  }
0x84: {  	_ =	shalt  }
0x85: {  	_ =	shalt  }
0x86: {  	_ =	shalt  }
0x87: {  	_ =	shalt  }
.Lfunc_end0:
.L_simem_size_0:
called_computation_lowered:
.L_overlay_start_0:
0x88: {  	s2 =	sld [smem:$0x3FD9]  }
0x89: {  	s3 =	sld [smem:$0x3FFE];
	_ =	sdelay $0x1  }
0x8a: {  	s1 =	srdreg.scid  }
0x8b: {  	s0 =	sand.u32 $0x1, s1  }
0x8c: {  	s17 =	sshll.u32 s0, $0xA;
	s2 =	sadd.s32 s3, s2  }
0x8d: {  	s2 =	sadd.s32 s2, s17  }
0x8e: {  	[smem:$0x3FC4] =	sst s2  }
0x8f: {  	_ = 	snop  }
0x90: {  	s2 =	sld [smem:$0x3FD0];
	(tm) =	ssettm $0x1  }
0x91: {  	s18 =	sld [smem:$0x3FFB];
	_ =	sdelay $0x3  }
0x92: {  	_ =	strace s18  }
0x93: {  	s3 =	sld [smem:$0x3FFC];
	_ =	sdelay $0x3  }
0x94: {  	_ =	strace s3  }
0x95: {  	s3 =	sld [smem:$0x3FFD];
	_ =	sdelay $0x3  }
0x96: {  	_ =	strace s3  }
0x97: {  	_ =	strace $0x8FFFFFFF  }
0x98: {  	s19 =	sld [smem:$0x3FDB];
	_ =	sdelay $0x1  }
0x99: {  	s4 =	simm.s32 $_scs_section_size  }
0x9a: {  	s5 =	simm.s32 $_size__tile_overlayer_lowered;
	s6 =	simm.s32 $_tile_overlayer_lowered  }
0x9b: {  	s22 =	simm.s32 $0x1BFF;
	s21 =	sshll.u32 s6, $0x1;
	s3 =	sadd.s32 s4, s19  }
0x9c: {  	s7 =	simm.s32 $0x0;
	s20 =	sshll.u32 s5, $0x1;
	s5 =	sadd.s32 s21, s3  }
0x9d: {  	[timem:s7], [sflag:s22] =	dma.local [hbm:s5], s20  }
0x9e: {  	_ =	swait.ge [sflag:s22], s20  }
0x9f: {  	s4 =	ssub.s32 $0x0, s20;
	[sflag:s22] =	ssyncset.done $0x0  }
0xa0: {  	[sflag:s22] =	ssyncadd.s32 s4;
	_ =	sdelay $0x1  }
0xa1: {  	s23 =	simm.s32 $0x1B8B  }
0xa2: {  	_ =	swait.ge [sflag:s23], $0x1  }
0xa3: {  	[sflag:s23] =	ssyncset.done $0x0  }
0xa4: {  	s25 =	simm.s32 $0x1B8E;
	s24 =	sld [smem:$0x3FFE];
	[sflag:s23] =	ssyncadd.s32 $0xFFFFFFFF  }
0xa5: {  	s26 =	simm.s32 $execute0_lowered;
	[smem:$0x3FD2] =	sst s25  }
0xa6: {  	s5 =	sshll.u32 s26, $0x1;
	_ =	strace $0x80000046;
	[dreg:$0x1] =	wrdreg $0xFFFFFFFF  }
0xa7: {  	s28 =	simm.s32 $_size_execute0_lowered;
	s3 =	sadd.s32 s3, s5;
	[dreg:$0x0] =	wrdreg $0x0  }
0xa8: {  	s5 =	sshll.u32 s28, $0x1;
	[dreg:$0x2] =	wrdreg s3  }
0xa9: {  	[dreg:$0x3] =	wrdreg s5  }
0xaa: {  	[dreg:$0x4] =	wrdreg $0xC0  }
0xab: {  	_ =	task [dreg:s7], $0x5FFFF  }
0xac: {  	[dreg:$0x1] =	wrdreg $0xFFFFFFFF  }
0xad: {  	[dreg:$0x0] =	wrdreg $0x60  }
0xae: {  	[dreg:$0x2] =	wrdreg s24  }
0xaf: {  	[dreg:$0x3] =	wrdreg s2  }
0xb0: {  	[dreg:$0x4] =	wrdreg $0x9  }
0xb1: {  	_ =	task.clear_ibuf [dreg:s7], $0x5FFFF;
	_ =	strace $0x90000046  }
0xb2: {  	s29 =	simm.s32 $0x9;
	_ =	strace $0x80000048  }
0xb3: {  	_ =	swait.ge [sflag:s29], $0x1  }
0xb4: {  	[sflag:s29] =	ssyncadd.s32 $0xFFFFFFFF  }
0xb5: {  	_ =	strace $0x90000048  }
0xb6: {  	_ =	sfence  }
0xb7: {  	s30 =	sld [smem:$0x0];
	_ =	sdelay $0x2  }
0xb8: {  	s31 =	sshll.u32 s1, $0xD;
	s1 =	sshrl.u32 s1, $0x2  }
0xb9: {  	s3 =	sand.u32 $0x4000, s31;
	s1 =	sadd.s32 s1, s30  }
0xba: {  	s0 =	sor.u32 s3, s0;
	s1 =	sshll.u32 s1, $0x11  }
0xbb: {  	s0 =	sor.u32 s1, s0  }
0xbc: {  	s0 =	sadd.s32 $0x8F2B, s0  }
0xbd: {  	[sflag:s0] =	ssyncadd.remote.s32 $0x1  }
0xbe: {  	_ =	sfence.sel $0xFFFF  }
0xbf: {  	[dreg:$0x0] =	wrdreg $0xFFFFFFFF;
	(pc) =	sbr.abs _section_cstart, $3  }
0xc0: {  	[dreg:$0x1] =	wrdreg $0xFFFFFFFF  }
0xc1: {  	_ =	task.clear_ibuf [dreg:s7], $0x2FFFF;
	_ =	strace $0x9FFFFFFF  }
0xc2: {  	(tm) =	ssettm $0x7FFFFFFF  }
0xc3: {  	_ =	shalt  }
tec
execute0_lowered:
.L_overlay_start_1:
0x0: {  	(tag) =	ssettag $0x1  }
0x1: {  	s0 =	rddreg [dreg:$0x0]  }
0x2: {  	s2 =	rddreg [dreg:$0x1];
	s1 =	simm.s32 $0x0;
	s6 =	srdreg.scid  }
0x3: {  	s7 =	stileid.u32;
	s14 =	simm.s32 $0x3;
	s15 =	simm.s32 $0x100  }
0x4: {  	s16 =	simm.s32 $0x200;
	s17 =	simm.s32 $0x80;
	s18 =	simm.s32 $0x180  }
0x5: {  	s19 =	simm.s32 $0x280;
	s20 =	simm.s32 $0x1;
	s21 =	simm.s32 $0x2  }
0x6: {  	s23 =	simm.s32 $0x0;
	[smem:$0x7FF] =	sst s1;
	s6 =	sand.u32 $0x1, s6  }
0x7: {  	s3 =	sadd.s32 $0x2600, s0;
	s7 =	sshll.u32 s7, $0xA;
	s8 =	sshll.u32 s6, $0x9  }
0x8: {  	s4 =	sadd.s32 $0x1600, s0;
	s5 =	sadd.s32 $0x600, s0;
	s7 =	sor.u32 s8, s7  }
0x9: {  	_ =	strace $0x80000047;
	s9 =	ssub.s32 $0x2, s6;
	s28 =	sshrl.u32 s7, $0x3  }
0xa: {  	s6 =	sadd.s32 $0x3600, s0;
	s10 =	sshrl.u32 s9, $0x1;
	s29 =	sadd.s32 s3, s28  }
0xb: {  	s8 =	sadd.s32 $0x7A4A00, s0;
	s30 =	sadd.s32 s4, s28;
	[dreg:$0x3] =	wrdreg s29  }
0xc: {  	s26 =	ssub.s32 s9, s10;
	s31 =	sadd.s32 s5, s28;
	[dreg:$0x4] =	wrdreg s30  }
0xd: {  	v0 =	vimm.f32 $0.0e+00;
	s12 =	sadd.s32 s2, s28;
	s13 =	smax.u32 s26, $0x1;
	[dreg:$0x5] =	wrdreg s31  }
.LBB2_1:
0xe: {  	s0 =	rddreg [dreg:$0x3]  }
0xf: {  	[tilespmem:s1], [sflag:$0x3] =	stream.linear.gather [hbm4b:s0+s1], $0x80, $0x38;
	[tilespmem:$0x18900] =	vst v63  }
0x10: {  	_ =	swait.ge [sflag:s14], $0x80  }
0x11: {  	[sflag:s14] =	ssyncset.done $0x0  }
0x12: {  	s30 =	rddreg [dreg:$0x4];
	[sflag:s14] =	ssyncadd.s32 $0xFFFFFF80  }
0x13: {  	[tilespmem:s15], [sflag:$0x3] =	stream.linear.gather [hbm4b:s30+s1], $0x80, $0x38;
	[tilespmem:$0x18900] =	vst v63  }
0x14: {  	_ =	swait.ge [sflag:s14], $0x80  }
0x15: {  	[sflag:s14] =	ssyncset.done $0x0  }
0x16: {  	s31 =	rddreg [dreg:$0x5];
	[sflag:s14] =	ssyncadd.s32 $0xFFFFFF80  }
0x17: {  	[tilespmem:s16], [sflag:$0x3] =	stream.linear.gather [hbm4b:s31+s1], $0x80, $0x38;
	[tilespmem:$0x18900] =	vst v63  }
0x18: {  	_ =	swait.ge [sflag:s14], $0x80  }
0x19: {  	s2 =	simm.s32 $0x4300;
	s25 =	simm.s32 $0x8300;
	[sflag:s14] =	ssyncset.done $0x0  }
0x1a: {  	s26 =	simm.s32 $0x0;
	s0 =	simm.s32 $0x300;
	[sflag:s14] =	ssyncadd.s32 $0xFFFFFF80  }
.LBB2_2:
0x1b: {  	s22 =	simm.s32 $0x0  }
0x1c: {  	v3 =	vld [tilespmem:s22+$0x0]  }
0x1d: {  	s9 =	sshrl.u32 s26, $0x3  }
0x1e: {  	s24 =	sshll.u32 s26, $0x7;
	s9 =	smul.u32 $0x7A1400, s9  }
0x1f: {  	v2 =	vmov s0;
	s10 =	sand.u32 $0x380, s24  }
0x20: {  	s9 =	sor.u32 s10, s9  }
0x21: {  	v1 =	vmov s9;
	v4 =	vshll.u32 v3, $0x3;
	v3 =	vand.u32 $0x7F, v3  }
0x22: {  	v4 =	vand.u32 $0xFFFFFC00, v4;
	v3 =	vor.u32 v1, v3  }
0x23: {  	v3 =	vadd.s32 v4, v3  }
0x24: {  	[tilespmem:v2+s22+$0x0 ss:$0x1] =	vst.idx.msk $0xffff, v3  }
0x25: {  	v4 =	vld [tilespmem:s22+$0x100];
	_ =	sdelay $0x2  }
0x26: {  	v3 =	vmov s2;
	_ =	sdelay $0x1  }
0x27: {  	v5 =	vshll.u32 v4, $0x3;
	v4 =	vand.u32 $0x7F, v4  }
0x28: {  	v5 =	vand.u32 $0xFFFFFC00, v5;
	v4 =	vor.u32 v1, v4  }
0x29: {  	v4 =	vadd.s32 v5, v4  }
0x2a: {  	[tilespmem:v3+s22+$0x0 ss:$0x1] =	vst.idx.msk $0xffff, v4  }
0x2b: {  	v4 =	vld [tilespmem:s22+$0x200];
	_ =	sdelay $0x4  }
0x2c: {  	v5 =	vshll.u32 v4, $0x3;
	v4 =	vand.u32 $0x7F, v4  }
0x2d: {  	v6 =	vor.u32 v1, v4;
	v4 =	vmov s25;
	_ =	sdelay $0x1  }
0x2e: {  	v5 =	vand.u32 $0xFFFFFC00, v5  }
0x2f: {  	s10 =	simm.s32 $0x80;
	s9 =	simm.s32 $0x40;
	v5 =	vadd.s32 v5, v6  }
.LBB2_3:
0x30: {  	p0 =	sne.s32 s10, $0x1C0  }
0x31: {  	[tilespmem:v4+s22+$0x0 ss:$0x1] =	vst.idx.msk $0xffff, v5;
	s22 =	sshra.s32 s9, $0x2;
	s9 =	smov.u32 s10;
	s10 =	sadd.s32 $0x40, s10  }
0x32: {  	v5 =	vld [tilespmem:s22+$0x0];
	_ =	sdelay $0x4  }
0x33: {  	v6 =	vshll.u32 v5, $0x3;
	v5 =	vand.u32 $0x7F, v5  }
0x34: {  	v6 =	vand.u32 $0xFFFFFC00, v6;
	v5 =	vor.u32 v1, v5  }
0x35: {  	v5 =	vadd.s32 v6, v5  }
0x36: {  	[tilespmem:v2+s22+$0x0 ss:$0x1] =	vst.idx.msk $0xffff, v5  }
0x37: {  	v5 =	vld [tilespmem:s22+$0x100];
	_ =	sdelay $0x4  }
0x38: {  	v6 =	vshll.u32 v5, $0x3;
	v5 =	vand.u32 $0x7F, v5  }
0x39: {  	v6 =	vand.u32 $0xFFFFFC00, v6;
	v5 =	vor.u32 v1, v5  }
0x3a: {  	v5 =	vadd.s32 v6, v5  }
0x3b: {  	[tilespmem:v3+s22+$0x0 ss:$0x1] =	vst.idx.msk $0xffff, v5  }
0x3c: {  	v5 =	vld [tilespmem:s22+$0x200];
	_ =	sdelay $0x2  }
.Ltmp0:
0x3d: {  	(pc) =	sbr.rel @p0 .LBB2_3-.Ltmp0, $4  }
0x3e: {  	_ = 	snop  }
0x3f: {  	v6 =	vshll.u32 v5, $0x3;
	v5 =	vand.u32 $0x7F, v5  }
0x40: {  	v6 =	vand.u32 $0xFFFFFC00, v6;
	v5 =	vor.u32 v1, v5  }
0x41: {  	v5 =	vadd.s32 v6, v5  }
0x42: {  	_ =	sdelay $0x3  }
0x43: {  	s9 =	sshra.s32 s9, $0x2;
	[tilespmem:v4+s22+$0x0 ss:$0x1] =	vst.idx.msk $0xffff, v5  }
0x44: {  	v5 =	vld [tilespmem:s9+$0x0];
	_ =	sdelay $0x4  }
0x45: {  	v6 =	vshll.u32 v5, $0x3;
	v5 =	vand.u32 $0x7F, v5  }
0x46: {  	v6 =	vand.u32 $0xFFFFFC00, v6;
	v5 =	vor.u32 v1, v5  }
0x47: {  	v5 =	vadd.s32 v6, v5  }
0x48: {  	[tilespmem:v2+s9+$0x0 ss:$0x1] =	vst.idx.msk $0xffff, v5  }
0x49: {  	v2 =	vld [tilespmem:s9+$0x100];
	_ =	sdelay $0x4  }
0x4a: {  	v63 =	vshll.u32 v2, $0x3;
	v2 =	vand.u32 $0x7F, v2  }
0x4b: {  	v5 =	vand.u32 $0xFFFFFC00, v63;
	v2 =	vor.u32 v1, v2  }
0x4c: {  	v2 =	vadd.s32 v5, v2  }
0x4d: {  	[tilespmem:v3+s9+$0x0 ss:$0x1] =	vst.idx.msk $0xffff, v2  }
0x4e: {  	v2 =	vld [tilespmem:s9+$0x200];
	_ =	sdelay $0x4  }
0x4f: {  	v3 =	vshll.u32 v2, $0x3;
	v2 =	vand.u32 $0x7F, v2  }
0x50: {  	v3 =	vand.u32 $0xFFFFFC00, v3;
	v1 =	vor.u32 v1, v2  }
0x51: {  	s26 =	sadd.s32 $0x1, s26;
	v1 =	vadd.s32 v3, v1  }
0x52: {  	s22 =	sadd.s32 $0xC300, s24;
	s10 =	sadd.s32 $0x300, s24;
	p0 =	sne.s32 s26, $0x40;
	[tilespmem:v4+s9+$0x0 ss:$0x1] =	vst.idx.msk $0xffff, v1  }
0x53: {  	[tilespmem:s22], [sflag:$0x1] =	stream.indirect.gather [hbm4b:s6+s17], $0x1, s10, s17, $0xb8;
	[tilespmem:$0x18900] =	vst v63  }
.Ltmp1:
0x54: {  	s28 =	sadd.s32 $0x10300, s24;
	s29 =	sadd.s32 $0x4300, s24;
	(pc) =	sbr.rel @p0 .LBB2_2-.Ltmp1, $4  }
0x55: {  	s30 =	sadd.s32 $0x14300, s24;
	s31 =	sadd.s32 $0x8300, s24;
	s0 =	sadd.s32 $0x80, s0  }
0x56: {  	[tilespmem:s28], [sflag:$0x1] =	stream.indirect.gather [hbm4b:s8+s17], $0x1, s29, s17, $0xb8;
	[tilespmem:$0x18900] =	vst v63  }
0x57: {  	s2 =	sadd.s32 $0x80, s2;
	s25 =	sadd.s32 $0x80, s25;
	s24 =	simm.s32 $0x0  }
0x58: {  	[tilespmem:s30], [sflag:$0x1] =	stream.indirect.gather [hbm4b:s6+s17], $0x1, s31, s17, $0xb8;
	[tilespmem:$0x18900] =	vst v63  }
0x59: {  	s25 =	simm.s32 $0x0  }
.LBB2_6:
0x5a: {  	s0 =	sshrl.u32 s25, $0x1;
	s28 =	sshll.u32 s25, $0x8  }
0x5b: {  	s2 =	sshll.u32 s0, $0xE;
	s9 =	sor.u32 $0x80, s28;
	s29 =	sshll.u32 s0, $0x9  }
0x5c: {  	s10 =	sor.u32 s7, s2;
	s26 =	ssub.s32 s9, s29  }
0x5d: {  	s0 =	sadd.s32 s26, s10  }
0x5e: {  	s0 =	sshrl.u32 s0, $0x3  }
0x5f: {  	s11 =	sadd.s32 s3, s0  }
0x60: {  	[tilespmem:s17], [sflag:$0x3] =	stream.linear.gather [hbm4b:s11+s24], $0x80, $0x38;
	[tilespmem:$0x18900] =	vst v63  }
0x61: {  	_ =	swait.ge [sflag:s14], $0x80  }
0x62: {  	[sflag:s14] =	ssyncset.done $0x0  }
0x63: {  	s22 =	sadd.s32 s4, s0;
	[sflag:s14] =	ssyncadd.s32 $0xFFFFFF80  }
0x64: {  	[tilespmem:s18], [sflag:$0x3] =	stream.linear.gather [hbm4b:s22+s24], $0x80, $0x38;
	[tilespmem:$0x18900] =	vst v63  }
0x65: {  	_ =	swait.ge [sflag:s14], $0x80  }
0x66: {  	[sflag:s14] =	ssyncset.done $0x0  }
0x67: {  	s0 =	sadd.s32 s5, s0;
	[sflag:s14] =	ssyncadd.s32 $0xFFFFFF80  }
0x68: {  	[tilespmem:s19], [sflag:$0x3] =	stream.linear.gather [hbm4b:s0+s24], $0x80, $0x38;
	[tilespmem:$0x18900] =	vst v63  }
0x69: {  	_ =	swait.ge [sflag:s14], $0x80  }
0x6a: {  	s30 =	simm.s32 $0xA300;
	s31 =	simm.s32 $0x0;
	[sflag:s14] =	ssyncset.done $0x0  }
0x6b: {  	s2 =	simm.s32 $0x6300;
	s0 =	simm.s32 $0x2300;
	[sflag:s14] =	ssyncadd.s32 $0xFFFFFF80  }
.LBB2_7:
0x6c: {  	s9 =	simm.s32 $0x0  }
0x6d: {  	v3 =	vld [tilespmem:s9+$0x80]  }
0x6e: {  	s10 =	sshrl.u32 s31, $0x3  }
0x6f: {  	s22 =	sshll.u32 s31, $0x7;
	s10 =	smul.u32 $0x7A1400, s10  }
0x70: {  	v2 =	vmov s0;
	s11 =	sand.u32 $0x380, s22  }
0x71: {  	s10 =	sor.u32 s11, s10  }
0x72: {  	v1 =	vmov s10;
	v4 =	vshll.u32 v3, $0x3;
	v3 =	vand.u32 $0x7F, v3  }
0x73: {  	v4 =	vand.u32 $0xFFFFFC00, v4;
	v3 =	vor.u32 v1, v3  }
0x74: {  	v3 =	vadd.s32 v4, v3  }
0x75: {  	[tilespmem:v2+s9+$0x0 ss:$0x1] =	vst.idx.msk $0xffff, v3  }
0x76: {  	v4 =	vld [tilespmem:s9+$0x180];
	_ =	sdelay $0x2  }
0x77: {  	v3 =	vmov s2;
	_ =	sdelay $0x1  }
0x78: {  	v5 =	vshll.u32 v4, $0x3;
	v4 =	vand.u32 $0x7F, v4  }
0x79: {  	v5 =	vand.u32 $0xFFFFFC00, v5;
	v4 =	vor.u32 v1, v4  }
0x7a: {  	v4 =	vadd.s32 v5, v4  }
0x7b: {  	[tilespmem:v3+s9+$0x0 ss:$0x1] =	vst.idx.msk $0xffff, v4  }
0x7c: {  	v4 =	vld [tilespmem:s9+$0x280];
	_ =	sdelay $0x4  }
0x7d: {  	v5 =	vshll.u32 v4, $0x3;
	v4 =	vand.u32 $0x7F, v4  }
0x7e: {  	v6 =	vor.u32 v1, v4;
	v4 =	vmov s30;
	_ =	sdelay $0x1  }
0x7f: {  	v5 =	vand.u32 $0xFFFFFC00, v5  }
0x80: {  	s11 =	simm.s32 $0x80;
	s10 =	simm.s32 $0x40;
	v5 =	vadd.s32 v5, v6  }
.LBB2_8:
0x81: {  	p0 =	sne.s32 s11, $0x1C0  }
0x82: {  	[tilespmem:v4+s9+$0x0 ss:$0x1] =	vst.idx.msk $0xffff, v5;
	s9 =	sshra.s32 s10, $0x2;
	s10 =	smov.u32 s11;
	s11 =	sadd.s32 $0x40, s11  }
0x83: {  	v5 =	vld [tilespmem:s9+$0x80];
	_ =	sdelay $0x4  }
0x84: {  	v6 =	vshll.u32 v5, $0x3;
	v5 =	vand.u32 $0x7F, v5  }
0x85: {  	v6 =	vand.u32 $0xFFFFFC00, v6;
	v5 =	vor.u32 v1, v5  }
0x86: {  	v5 =	vadd.s32 v6, v5  }
0x87: {  	[tilespmem:v2+s9+$0x0 ss:$0x1] =	vst.idx.msk $0xffff, v5  }
0x88: {  	v5 =	vld [tilespmem:s9+$0x180];
	_ =	sdelay $0x4  }
0x89: {  	v6 =	vshll.u32 v5, $0x3;
	v5 =	vand.u32 $0x7F, v5  }
0x8a: {  	v6 =	vand.u32 $0xFFFFFC00, v6;
	v5 =	vor.u32 v1, v5  }
0x8b: {  	v5 =	vadd.s32 v6, v5  }
0x8c: {  	[tilespmem:v3+s9+$0x0 ss:$0x1] =	vst.idx.msk $0xffff, v5  }
0x8d: {  	v5 =	vld [tilespmem:s9+$0x280];
	_ =	sdelay $0x2  }
.Ltmp2:
0x8e: {  	(pc) =	sbr.rel @p0 .LBB2_8-.Ltmp2, $4  }
0x8f: {  	_ = 	snop  }
0x90: {  	v6 =	vshll.u32 v5, $0x3;
	v5 =	vand.u32 $0x7F, v5  }
0x91: {  	v6 =	vand.u32 $0xFFFFFC00, v6;
	v5 =	vor.u32 v1, v5  }
0x92: {  	v5 =	vadd.s32 v6, v5  }
0x93: {  	_ =	sdelay $0x3  }
0x94: {  	s10 =	sshra.s32 s10, $0x2;
	[tilespmem:v4+s9+$0x0 ss:$0x1] =	vst.idx.msk $0xffff, v5  }
0x95: {  	v5 =	vld [tilespmem:s10+$0x80];
	_ =	sdelay $0x4  }
0x96: {  	v6 =	vshll.u32 v5, $0x3;
	v5 =	vand.u32 $0x7F, v5  }
0x97: {  	v6 =	vand.u32 $0xFFFFFC00, v6;
	v5 =	vor.u32 v1, v5  }
0x98: {  	v5 =	vadd.s32 v6, v5  }
0x99: {  	[tilespmem:v2+s10+$0x0 ss:$0x1] =	vst.idx.msk $0xffff, v5  }
0x9a: {  	v2 =	vld [tilespmem:s10+$0x180];
	_ =	sdelay $0x4  }
0x9b: {  	v63 =	vshll.u32 v2, $0x3;
	v2 =	vand.u32 $0x7F, v2  }
0x9c: {  	v5 =	vand.u32 $0xFFFFFC00, v63;
	v2 =	vor.u32 v1, v2  }
0x9d: {  	v2 =	vadd.s32 v5, v2  }
0x9e: {  	[tilespmem:v3+s10+$0x0 ss:$0x1] =	vst.idx.msk $0xffff, v2  }
0x9f: {  	v2 =	vld [tilespmem:s10+$0x280];
	_ =	sdelay $0x4  }
0xa0: {  	v3 =	vshll.u32 v2, $0x3;
	v2 =	vand.u32 $0x7F, v2  }
0xa1: {  	v3 =	vand.u32 $0xFFFFFC00, v3;
	v1 =	vor.u32 v1, v2  }
0xa2: {  	s31 =	sadd.s32 $0x1, s31;
	v1 =	vadd.s32 v3, v1  }
0xa3: {  	s11 =	sadd.s32 $0x2300, s22;
	p0 =	sne.s32 s31, $0x40;
	[tilespmem:v4+s10+$0x0 ss:$0x1] =	vst.idx.msk $0xffff, v1;
	s10 =	sadd.s32 $0xE300, s22  }
0xa4: {  	[tilespmem:s10], [sflag:$0x2] =	stream.indirect.gather [hbm4b:s6+s17], $0x1, s11, s17, $0xb8;
	[tilespmem:$0x18900] =	vst v63  }
.Ltmp3:
0xa5: {  	s0 =	sadd.s32 $0x80, s0;
	(pc) =	sbr.rel @p0 .LBB2_7-.Ltmp3, $4  }
0xa6: {  	s2 =	sadd.s32 $0x80, s2;
	s10 =	sadd.s32 $0x12300, s22;
	s11 =	sadd.s32 $0x6300, s22  }
0xa7: {  	[tilespmem:s10], [sflag:$0x2] =	stream.indirect.gather [hbm4b:s8+s17], $0x1, s11, s17, $0xb8;
	[tilespmem:$0x18900] =	vst v63  }
0xa8: {  	s30 =	sadd.s32 $0x80, s30;
	s11 =	sadd.s32 $0x16300, s22;
	s22 =	sadd.s32 $0xA300, s22  }
0xa9: {  	[tilespmem:s11], [sflag:$0x2] =	stream.indirect.gather [hbm4b:s6+s17], $0x1, s22, s17, $0xb8;
	[tilespmem:$0x18900] =	vst v63  }
0xaa: {  	_ =	swait.ge [sflag:s20], $0x80  }
0xab: {  	[sflag:s20] =	ssyncset.done $0x0  }
0xac: {  	[sflag:s20] =	ssyncadd.s32 $0xFFFFFF80  }
0xad: {  	_ =	swait.ge [sflag:s20], $0x80  }
0xae: {  	[sflag:s20] =	ssyncset.done $0x0  }
0xaf: {  	[sflag:s20] =	ssyncadd.s32 $0xFFFFFF80  }
0xb0: {  	_ =	swait.ge [sflag:s20], $0x80  }
0xb1: {  	s0 =	simm.s32 $0x3F;
	[sflag:s20] =	ssyncset.done $0x0  }
.LBB2_11:
0xb2: {  	p0 =	sne.s32 s0, $0x1;
	s0 =	sadd.s32 $0xFFFFFFFF, s0;
	[sflag:s20] =	ssyncadd.s32 $0xFFFFFF80  }
0xb3: {  	_ =	swait.ge [sflag:s20], $0x80  }
0xb4: {  	[sflag:s20] =	ssyncset.done $0x0  }
0xb5: {  	[sflag:s20] =	ssyncadd.s32 $0xFFFFFF80  }
.Ltmp4:
0xb6: {  	_ =	swait.ge [sflag:s20], $0x80;
	(pc) =	sbr.rel @p0 .LBB2_11-.Ltmp4, $4  }
0xb7: {  	[sflag:s20] =	ssyncset.done $0x0  }
0xb8: {  	[sflag:s20] =	ssyncadd.s32 $0xFFFFFF80  }
0xb9: {  	_ =	swait.ge [sflag:s20], $0x80  }
0xba: {  	[sflag:s20] =	ssyncset.done $0x0  }
0xbb: {  	s0 =	sand.u32 $0x3FFFFE00, s29  }
0xbc: {  	s2 =	ssub.s32 s28, s29;
	s28 =	sadd.s32 $0x18300, s0  }
0xbd: {  	[sflag:s20] =	ssyncadd.s32 $0xFFFFFF80;
	s29 =	simm.s32 $0x0;
	s2 =	sadd.s32 s2, s28  }
0xbe: {  	s30 =	simm.s32 $0x14300;
	s31 =	simm.s32 $0x10300;
	s0 =	simm.s32 $0xC300;
	v1 =	vmov s2  }
.LBB2_13:
0xbf: {  	v12 =	vmov s30  }
0xc0: {  	v13 =	vmov s0  }
0xc1: {  	v7 =	vmov s31;
	_ =	sdelay $0x1  }
0xc2: {  	s2 =	simm.s32 $0x0  }
0xc3: {  	v10 =	vld.idx.msk [tilespmem:v12+s2+$0x0 ss:$0x1], $0xffff  }
0xc4: {  	v11 =	vld.idx.msk [tilespmem:v13+s2+$0x0 ss:$0x1], $0xffff  }
0xc5: {  	v4 =	vld.idx.msk [tilespmem:v7+s2+$0x0 ss:$0x1], $0xffff;
	_ =	sdelay $0x1  }
0xc6: {  	v14 =	vimm.f32 $0.0e+00;
	s9 =	simm.s32 $0x80;
	v15 =	vimm.f32 $0.0e+00  }
0xc7: {  	v8 =	vimm.f32 $0.0e+00;
	v5 =	vimm.f32 $0.0e+00;
	v2 =	vld.idx.msk [tilespmem:v12+s9+$0x0 ss:$0x1], $0xffff;
	v16 =	vmul.f32 v10, v10  }
0xc8: {  	s10 =	simm.s32 $0x400;
	v3 =	vimm.f32 $0.0e+00;
	v9 =	vimm.f32 $0.0e+00;
	s2 =	sshll.u32 s29, $0x4;
	v6 =	vld.idx.msk [tilespmem:v13+s9+$0x0 ss:$0x1], $0xffff;
	v17 =	vmul.f32 v11, v11  }
.LBB2_14:
0xc9: {  	v18 =	vmov v4;
	v14 =	vadd.f32 v16, v14  }
0xca: {  	p0 =	sne.s32 s10, $0x7E00;
	v16 =	vmul.f32 v10, v11;
	v10 =	vmul.f32 v10, v4;
	v19 =	vmov v4;
	v4 =	vld.idx.msk [tilespmem:v7+s9+$0x0 ss:$0x1], $0xffff;
	s9 =	smov.u32 s10;
	s10 =	sadd.s32 $0x200, s10  }
.Ltmp5:
0xcb: {  	v15 =	vadd.f32 v17, v15;
	v17 =	vmul.f32 v18, v19;
	v11 =	vmul.f32 v19, v11;
	(pc) =	sbr.rel @p0 .LBB2_14-.Ltmp5, $4  }
0xcc: {  	v8 =	vadd.f32 v16, v8;
	v5 =	vadd.f32 v10, v5  }
0xcd: {  	s9 =	sshra.s32 s9, $0x2;
	v3 =	vadd.f32 v17, v3;
	v9 =	vadd.f32 v11, v9  }
0xce: {  	v16 =	vmul.f32 v2, v2;
	v10 =	vmov v2;
	v2 =	vld.idx.msk [tilespmem:v12+s9+$0x0 ss:$0x1], $0xffff  }
0xcf: {  	v17 =	vmul.f32 v6, v6;
	v11 =	vmov v6;
	v6 =	vld.idx.msk [tilespmem:v13+s9+$0x0 ss:$0x1], $0xffff  }
0xd0: {  	_ =	sdelay $0x2  }
0xd1: {  	v14 =	vadd.f32 v16, v14;
	v33 =	vmul.f32 v2, v2  }
0xd2: {  	v12 =	vadd.f32 v17, v15;
	v13 =	vmul.f32 v6, v6  }
0xd3: {  	v34 =	vadd.f32 v33, v14  }
0xd4: {  	v12 =	vadd.f32 v13, v12  }
0xd5: {  	v37 =	vshra.s32 v34, $0x1  }
0xd6: {  	v38 =	vmul.f32 $5.000000000e-01, v34;
	v35 =	vshra.s32 v12, $0x1;
	v36 =	vmul.f32 $5.000000000e-01, v12  }
0xd7: {  	v16 =	vsub.s32 $0x5F3759DF, v37;
	v14 =	vsub.s32 $0x5F3759DF, v35  }
0xd8: {  	v19 =	vmul.f32 v16, v38;
	v18 =	vmul.f32 v14, v36;
	_ =	sdelay $0x1  }
0xd9: {  	v19 =	vmul.f32 v16, v19;
	v18 =	vmul.f32 v14, v18;
	_ =	sdelay $0x1  }
0xda: {  	v19 =	vsub.f32 $1.500000000e+00, v19;
	v18 =	vsub.f32 $1.500000000e+00, v18;
	_ =	sdelay $0x1  }
0xdb: {  	v16 =	vmul.f32 v16, v19;
	v14 =	vmul.f32 v14, v18;
	_ =	sdelay $0x1  }
0xdc: {  	v19 =	vmul.f32 v16, v38;
	v18 =	vmul.f32 v14, v36;
	_ =	sdelay $0x1  }
0xdd: {  	v19 =	vmul.f32 v19, v16;
	v18 =	vmul.f32 v18, v14;
	_ =	sdelay $0x1  }
0xde: {  	v19 =	vsub.f32 $1.500000000e+00, v19;
	v18 =	vsub.f32 $1.500000000e+00, v18;
	_ =	sdelay $0x1  }
0xdf: {  	v16 =	vmul.f32 v19, v16;
	v14 =	vmul.f32 v18, v14;
	_ =	sdelay $0x1  }
0xe0: {  	v17 =	vmul.f32 v16, v38;
	v15 =	vmul.f32 v14, v36;
	_ =	sdelay $0x1  }
0xe1: {  	v39 =	vld [tilespmem:s2+$0x0];
	v17 =	vmul.f32 v17, v16;
	v15 =	vmul.f32 v15, v14  }
0xe2: {  	v40 =	vld [tilespmem:s2+$0x200]  }
0xe3: {  	v17 =	vsub.f32 $1.500000000e+00, v17;
	v15 =	vsub.f32 $1.500000000e+00, v15;
	_ =	sdelay $0x1  }
0xe4: {  	v41 =	vmul.f32 v17, v16;
	v14 =	vmul.f32 v15, v14  }
0xe5: {  	v7 =	vld.idx.msk [tilespmem:v7+s9+$0x0 ss:$0x1], $0xffff;
	v42 =	vmul.f32 v10, v11;
	v45 =	vmul.f32 v4, v11;
	vm0 =	veq.s32 v39, $0xF423F  }
0xe6: {  	vm14 =	veq.s32 v40, $0xF423F;
	v44 =	vsub.f32 $1.000000000e+00, v41;
	v43 =	vsub.f32 $1.000000000e+00, v14  }
0xe7: {  	v49 =	vmul.f32 v10, v4;
	v46 =	vsel vm14, $0x3F800000, v0;
	v18 =	vsel vm0, $0x3F800000, v0  }
0xe8: {  	v47 =	vmul.f32 v46, v44;
	v17 =	vmul.f32 v18, v43  }
0xe9: {  	v8 =	vadd.f32 v42, v8;
	v9 =	vadd.f32 v45, v9;
	v51 =	vmul.f32 v2, v6  }
0xea: {  	v52 =	vmul.f32 v7, v6;
	v50 =	vadd.f32 v47, v41;
	v48 =	vadd.f32 v17, v14  }
0xeb: {  	v53 =	vmul.f32 v4, v4;
	v5 =	vadd.f32 v49, v5;
	v2 =	vmul.f32 v2, v7  }
0xec: {  	v8 =	vadd.f32 v51, v8;
	v6 =	vadd.f32 v52, v9;
	v54 =	vmul.f32 v50, v48  }
0xed: {  	v3 =	vadd.f32 v53, v3;
	v55 =	vmul.f32 v7, v7;
	v56 =	vmul.f32 v48, v48  }
0xee: {  	v2 =	vadd.f32 v2, v5;
	v57 =	vmul.f32 v48, v6;
	v58 =	vmul.f32 v54, v8  }
0xef: {  	v3 =	vadd.f32 v55, v3;
	v60 =	vmul.f32 v50, v50  }
0xf0: {  	v2 =	vmul.f32 v50, v2;
	v59 =	vmul.f32 v56, v12;
	v5 =	vsub.f32 v57, v58;
	_ =	sdelay $0x1  }
0xf1: {  	v61 =	vmul.f32 v60, v34;
	v3 =	vadd.f32 v59, v3;
	v2 =	vsub.f32 v5, v2;
	_ =	sdelay $0x1  }
0xf2: {  	v3 =	vadd.f32 v61, v3;
	v2 =	vadd.f32 v2, v2;
	_ =	sdelay $0x1  }
0xf3: {  	v2 =	vadd.f32 v2, v3;
	_ =	sdelay $0x1  }
0xf4: {  	v2 =	vmax.f32 v2, $0.0e+00  }
0xf5: {  	v3 =	vshra.s32 v2, $0x1;
	v62 =	vmul.f32 $5.000000000e-01, v2  }
0xf6: {  	v3 =	vsub.s32 $0x5F3759DF, v3  }
0xf7: {  	v63 =	vmul.f32 v3, v62;
	_ =	sdelay $0x1  }
0xf8: {  	v5 =	vmul.f32 v3, v63;
	_ =	sdelay $0x1  }
0xf9: {  	v5 =	vsub.f32 $1.500000000e+00, v5;
	_ =	sdelay $0x1  }
0xfa: {  	v3 =	vmul.f32 v3, v5;
	_ =	sdelay $0x1  }
0xfb: {  	v5 =	vmul.f32 v3, v62;
	_ =	sdelay $0x1  }
0xfc: {  	v5 =	vmul.f32 v5, v3;
	_ =	sdelay $0x1  }
0xfd: {  	v5 =	vsub.f32 $1.500000000e+00, v5;
	_ =	sdelay $0x1  }
0xfe: {  	v3 =	vmul.f32 v5, v3;
	_ =	sdelay $0x1  }
0xff: {  	v4 =	vmul.f32 v3, v62;
	_ =	sdelay $0x1  }
0x100: {  	v4 =	vmul.f32 v4, v3;
	_ =	sdelay $0x1  }
0x101: {  	v4 =	vsub.f32 $1.500000000e+00, v4  }
0x102: {  	s29 =	sadd.s32 $0x1, s29  }
0x103: {  	p0 =	sne.s32 s29, $0x8;
	v3 =	vmul.f32 v4, v3  }
.Ltmp6:
0x104: {  	_ = 	snop;
	(pc) =	sbr.rel @p0 .LBB2_13-.Ltmp6, $4  }
0x105: {  	v3 =	vmul.f32 v3, v2  }
0x106: {  	vm15 =	vgt.f32 v2, $0.0e+00  }
0x107: {  	v2 =	vnsel vm15, $0x0, v3  }
0x108: {  	s30 =	sadd.s32 $0x10, s30;
	s31 =	sadd.s32 $0x10, s31;
	s0 =	sadd.s32 $0x10, s0;
	[tilespmem:v1+s2+$0x0 ss:$0x1] =	vst.idx.msk $0xffff, v2  }
0x109: {  	p0 =	sne.s32 s25, $0x3  }
.Ltmp7:
0x10a: {  	_ = 	snop;
	(pc) =	sbr.rel @!p0 .LBB2_21-.Ltmp7, $1  }
0x10b: {  	_ =	sdelay $0x3  }
0x10c: {  	s0 =	sshll.u32 s25, $0x1  }
0x10d: {  	s0 =	sadd.s32 $0x2, s0  }
0x10e: {  	s2 =	sshrl.u32 s0, $0x2;
	s0 =	sshll.u32 s0, $0x7  }
0x10f: {  	s9 =	sshll.u32 s2, $0xE;
	s0 =	sadd.s32 s7, s0  }
0x110: {  	s2 =	sshll.u32 s2, $0x9;
	s0 =	sadd.s32 s9, s0  }
0x111: {  	s0 =	ssub.s32 s0, s2  }
0x112: {  	s2 =	sshrl.u32 s0, $0x3  }
0x113: {  	s0 =	simm.s32 $0x0;
	s22 =	sadd.s32 s3, s2  }
0x114: {  	[tilespmem:s0], [sflag:$0x3] =	stream.linear.gather [hbm4b:s22+s0], $0x80, $0x38;
	[tilespmem:$0x18900] =	vst v63  }
0x115: {  	_ =	swait.ge [sflag:s14], $0x80  }
0x116: {  	[sflag:s14] =	ssyncset.done $0x0  }
0x117: {  	s31 =	sadd.s32 s4, s2;
	[sflag:s14] =	ssyncadd.s32 $0xFFFFFF80  }
0x118: {  	[tilespmem:s15], [sflag:$0x3] =	stream.linear.gather [hbm4b:s31+s0], $0x80, $0x38;
	[tilespmem:$0x18900] =	vst v63  }
0x119: {  	_ =	swait.ge [sflag:s14], $0x80  }
0x11a: {  	[sflag:s14] =	ssyncset.done $0x0  }
0x11b: {  	s2 =	sadd.s32 s5, s2;
	[sflag:s14] =	ssyncadd.s32 $0xFFFFFF80  }
0x11c: {  	[tilespmem:s16], [sflag:$0x3] =	stream.linear.gather [hbm4b:s2+s0], $0x80, $0x38;
	[tilespmem:$0x18900] =	vst v63  }
0x11d: {  	_ =	swait.ge [sflag:s14], $0x80  }
0x11e: {  	s29 =	simm.s32 $0x4300;
	[sflag:s14] =	ssyncset.done $0x0  }
0x11f: {  	s30 =	simm.s32 $0x8300;
	s2 =	simm.s32 $0x300;
	[sflag:s14] =	ssyncadd.s32 $0xFFFFFF80  }
.LBB2_18:
0x120: {  	s9 =	simm.s32 $0x0  }
0x121: {  	v3 =	vld [tilespmem:s9+$0x0]  }
0x122: {  	s10 =	sshrl.u32 s0, $0x3  }
0x123: {  	s22 =	sshll.u32 s0, $0x7;
	s10 =	smul.u32 $0x7A1400, s10  }
0x124: {  	v2 =	vmov s2;
	s11 =	sand.u32 $0x380, s22  }
0x125: {  	s10 =	sor.u32 s11, s10  }
0x126: {  	v1 =	vmov s10;
	v4 =	vshll.u32 v3, $0x3;
	v3 =	vand.u32 $0x7F, v3  }
0x127: {  	v4 =	vand.u32 $0xFFFFFC00, v4;
	v3 =	vor.u32 v1, v3  }
0x128: {  	v3 =	vadd.s32 v4, v3  }
0x129: {  	[tilespmem:v2+s9+$0x0 ss:$0x1] =	vst.idx.msk $0xffff, v3  }
0x12a: {  	v4 =	vld [tilespmem:s9+$0x100];
	_ =	sdelay $0x2  }
0x12b: {  	v3 =	vmov s29;
	_ =	sdelay $0x1  }
0x12c: {  	v5 =	vshll.u32 v4, $0x3;
	v4 =	vand.u32 $0x7F, v4  }
0x12d: {  	v5 =	vand.u32 $0xFFFFFC00, v5;
	v4 =	vor.u32 v1, v4  }
0x12e: {  	v4 =	vadd.s32 v5, v4  }
0x12f: {  	[tilespmem:v3+s9+$0x0 ss:$0x1] =	vst.idx.msk $0xffff, v4  }
0x130: {  	v4 =	vld [tilespmem:s9+$0x200];
	_ =	sdelay $0x4  }
0x131: {  	v5 =	vshll.u32 v4, $0x3;
	v4 =	vand.u32 $0x7F, v4  }
0x132: {  	v6 =	vor.u32 v1, v4;
	v4 =	vmov s30;
	_ =	sdelay $0x1  }
0x133: {  	v5 =	vand.u32 $0xFFFFFC00, v5  }
0x134: {  	s11 =	simm.s32 $0x80;
	s10 =	simm.s32 $0x40;
	v5 =	vadd.s32 v5, v6  }
.LBB2_19:
0x135: {  	p0 =	sne.s32 s11, $0x1C0  }
0x136: {  	[tilespmem:v4+s9+$0x0 ss:$0x1] =	vst.idx.msk $0xffff, v5;
	s9 =	sshra.s32 s10, $0x2;
	s10 =	smov.u32 s11;
	s11 =	sadd.s32 $0x40, s11  }
0x137: {  	v5 =	vld [tilespmem:s9+$0x0];
	_ =	sdelay $0x4  }
0x138: {  	v6 =	vshll.u32 v5, $0x3;
	v5 =	vand.u32 $0x7F, v5  }
0x139: {  	v6 =	vand.u32 $0xFFFFFC00, v6;
	v5 =	vor.u32 v1, v5  }
0x13a: {  	v5 =	vadd.s32 v6, v5  }
0x13b: {  	[tilespmem:v2+s9+$0x0 ss:$0x1] =	vst.idx.msk $0xffff, v5  }
0x13c: {  	v5 =	vld [tilespmem:s9+$0x100];
	_ =	sdelay $0x4  }
0x13d: {  	v6 =	vshll.u32 v5, $0x3;
	v5 =	vand.u32 $0x7F, v5  }
0x13e: {  	v6 =	vand.u32 $0xFFFFFC00, v6;
	v5 =	vor.u32 v1, v5  }
0x13f: {  	v5 =	vadd.s32 v6, v5  }
0x140: {  	[tilespmem:v3+s9+$0x0 ss:$0x1] =	vst.idx.msk $0xffff, v5  }
0x141: {  	v5 =	vld [tilespmem:s9+$0x200];
	_ =	sdelay $0x2  }
.Ltmp8:
0x142: {  	(pc) =	sbr.rel @p0 .LBB2_19-.Ltmp8, $4  }
0x143: {  	_ = 	snop  }
0x144: {  	v6 =	vshll.u32 v5, $0x3;
	v5 =	vand.u32 $0x7F, v5  }
0x145: {  	v6 =	vand.u32 $0xFFFFFC00, v6;
	v5 =	vor.u32 v1, v5  }
0x146: {  	v5 =	vadd.s32 v6, v5  }
0x147: {  	_ =	sdelay $0x3  }
0x148: {  	s10 =	sshra.s32 s10, $0x2;
	[tilespmem:v4+s9+$0x0 ss:$0x1] =	vst.idx.msk $0xffff, v5  }
0x149: {  	v5 =	vld [tilespmem:s10+$0x0];
	_ =	sdelay $0x4  }
0x14a: {  	v6 =	vshll.u32 v5, $0x3;
	v5 =	vand.u32 $0x7F, v5  }
0x14b: {  	v6 =	vand.u32 $0xFFFFFC00, v6;
	v5 =	vor.u32 v1, v5  }
0x14c: {  	v5 =	vadd.s32 v6, v5  }
0x14d: {  	[tilespmem:v2+s10+$0x0 ss:$0x1] =	vst.idx.msk $0xffff, v5  }
0x14e: {  	v2 =	vld [tilespmem:s10+$0x100];
	_ =	sdelay $0x4  }
0x14f: {  	v63 =	vshll.u32 v2, $0x3;
	v2 =	vand.u32 $0x7F, v2  }
0x150: {  	v5 =	vand.u32 $0xFFFFFC00, v63;
	v2 =	vor.u32 v1, v2  }
0x151: {  	v2 =	vadd.s32 v5, v2  }
0x152: {  	[tilespmem:v3+s10+$0x0 ss:$0x1] =	vst.idx.msk $0xffff, v2  }
0x153: {  	v2 =	vld [tilespmem:s10+$0x200];
	_ =	sdelay $0x4  }
0x154: {  	v3 =	vshll.u32 v2, $0x3;
	v2 =	vand.u32 $0x7F, v2  }
0x155: {  	v3 =	vand.u32 $0xFFFFFC00, v3;
	v1 =	vor.u32 v1, v2  }
0x156: {  	s0 =	sadd.s32 $0x1, s0;
	v1 =	vadd.s32 v3, v1  }
0x157: {  	s11 =	sadd.s32 $0xC300, s22;
	s31 =	sadd.s32 $0x300, s22;
	p0 =	seq.s32 s0, $0x40;
	[tilespmem:v4+s10+$0x0 ss:$0x1] =	vst.idx.msk $0xffff, v1  }
0x158: {  	[tilespmem:s11], [sflag:$0x1] =	stream.indirect.gather [hbm4b:s6+s17], $0x1, s31, s17, $0xb8;
	[tilespmem:$0x18900] =	vst v63  }
.Ltmp9:
0x159: {  	s2 =	sadd.s32 $0x80, s2;
	(pc) =	sbr.rel @!p0 .LBB2_18-.Ltmp9, $4  }
0x15a: {  	s29 =	sadd.s32 $0x80, s29;
	s11 =	sadd.s32 $0x10300, s22;
	s31 =	sadd.s32 $0x4300, s22  }
0x15b: {  	[tilespmem:s11], [sflag:$0x1] =	stream.indirect.gather [hbm4b:s8+s17], $0x1, s31, s17, $0xb8;
	[tilespmem:$0x18900] =	vst v63  }
0x15c: {  	s30 =	sadd.s32 $0x80, s30;
	s11 =	sadd.s32 $0x14300, s22;
	s31 =	sadd.s32 $0x8300, s22  }
0x15d: {  	[tilespmem:s11], [sflag:$0x1] =	stream.indirect.gather [hbm4b:s6+s17], $0x1, s31, s17, $0xb8;
	[tilespmem:$0x18900] =	vst v63  }
.LBB2_21:
0x15e: {  	_ =	swait.ge [sflag:s21], $0x80  }
0x15f: {  	[sflag:s21] =	ssyncset.done $0x0  }
0x160: {  	[sflag:s21] =	ssyncadd.s32 $0xFFFFFF80  }
0x161: {  	_ =	swait.ge [sflag:s21], $0x80  }
0x162: {  	[sflag:s21] =	ssyncset.done $0x0  }
0x163: {  	[sflag:s21] =	ssyncadd.s32 $0xFFFFFF80  }
0x164: {  	_ =	swait.ge [sflag:s21], $0x80  }
0x165: {  	s0 =	simm.s32 $0x3F;
	[sflag:s21] =	ssyncset.done $0x0  }
.LBB2_22:
0x166: {  	p0 =	seq.s32 s0, $0x1;
	s0 =	sadd.s32 $0xFFFFFFFF, s0;
	[sflag:s21] =	ssyncadd.s32 $0xFFFFFF80  }
0x167: {  	_ =	swait.ge [sflag:s21], $0x80  }
0x168: {  	[sflag:s21] =	ssyncset.done $0x0  }
0x169: {  	[sflag:s21] =	ssyncadd.s32 $0xFFFFFF80  }
.Ltmp10:
0x16a: {  	_ =	swait.ge [sflag:s21], $0x80;
	(pc) =	sbr.rel @!p0 .LBB2_22-.Ltmp10, $4  }
0x16b: {  	[sflag:s21] =	ssyncset.done $0x0  }
0x16c: {  	[sflag:s21] =	ssyncadd.s32 $0xFFFFFF80  }
0x16d: {  	_ =	swait.ge [sflag:s21], $0x80  }
0x16e: {  	[sflag:s21] =	ssyncset.done $0x0  }
0x16f: {  	[sflag:s21] =	ssyncadd.s32 $0xFFFFFF80;
	s0 =	sadd.s32 s26, s28;
	s26 =	simm.s32 $0x0  }
0x170: {  	s28 =	simm.s32 $0x16300;
	s29 =	simm.s32 $0x12300;
	s30 =	simm.s32 $0xE300;
	v1 =	vmov s0  }
.LBB2_24:
0x171: {  	v12 =	vmov s28  }
0x172: {  	v13 =	vmov s30  }
0x173: {  	v7 =	vmov s29;
	_ =	sdelay $0x1  }
0x174: {  	s0 =	simm.s32 $0x0  }
0x175: {  	v10 =	vld.idx.msk [tilespmem:v12+s0+$0x0 ss:$0x1], $0xffff  }
0x176: {  	v11 =	vld.idx.msk [tilespmem:v13+s0+$0x0 ss:$0x1], $0xffff  }
0x177: {  	v4 =	vld.idx.msk [tilespmem:v7+s0+$0x0 ss:$0x1], $0xffff;
	_ =	sdelay $0x1  }
0x178: {  	v14 =	vimm.f32 $0.0e+00;
	s2 =	simm.s32 $0x80;
	v15 =	vimm.f32 $0.0e+00  }
0x179: {  	v8 =	vimm.f32 $0.0e+00;
	v5 =	vimm.f32 $0.0e+00;
	v2 =	vld.idx.msk [tilespmem:v12+s2+$0x0 ss:$0x1], $0xffff;
	v16 =	vmul.f32 v10, v10  }
0x17a: {  	s9 =	simm.s32 $0x400;
	v3 =	vimm.f32 $0.0e+00;
	v9 =	vimm.f32 $0.0e+00;
	s0 =	sshll.u32 s26, $0x4;
	v6 =	vld.idx.msk [tilespmem:v13+s2+$0x0 ss:$0x1], $0xffff;
	v17 =	vmul.f32 v11, v11  }
.LBB2_25:
0x17b: {  	v18 =	vmov v4;
	v14 =	vadd.f32 v16, v14  }
0x17c: {  	p0 =	sne.s32 s9, $0x7E00;
	v16 =	vmul.f32 v10, v11;
	v10 =	vmul.f32 v10, v4;
	v19 =	vmov v4;
	v4 =	vld.idx.msk [tilespmem:v7+s2+$0x0 ss:$0x1], $0xffff;
	s2 =	smov.u32 s9;
	s9 =	sadd.s32 $0x200, s9  }
.Ltmp11:
0x17d: {  	v15 =	vadd.f32 v17, v15;
	v17 =	vmul.f32 v18, v19;
	v11 =	vmul.f32 v19, v11;
	(pc) =	sbr.rel @p0 .LBB2_25-.Ltmp11, $4  }
0x17e: {  	v8 =	vadd.f32 v16, v8;
	v5 =	vadd.f32 v10, v5  }
0x17f: {  	s2 =	sshra.s32 s2, $0x2;
	v3 =	vadd.f32 v17, v3;
	v9 =	vadd.f32 v11, v9  }
0x180: {  	v16 =	vmul.f32 v2, v2;
	v10 =	vmov v2;
	v2 =	vld.idx.msk [tilespmem:v12+s2+$0x0 ss:$0x1], $0xffff  }
0x181: {  	v17 =	vmul.f32 v6, v6;
	v11 =	vmov v6;
	v6 =	vld.idx.msk [tilespmem:v13+s2+$0x0 ss:$0x1], $0xffff  }
0x182: {  	_ =	sdelay $0x2  }
0x183: {  	v14 =	vadd.f32 v16, v14;
	v33 =	vmul.f32 v2, v2  }
0x184: {  	v12 =	vadd.f32 v17, v15;
	v13 =	vmul.f32 v6, v6  }
0x185: {  	v34 =	vadd.f32 v33, v14  }
0x186: {  	v12 =	vadd.f32 v13, v12  }
0x187: {  	v37 =	vshra.s32 v34, $0x1  }
0x188: {  	v38 =	vmul.f32 $5.000000000e-01, v34;
	v35 =	vshra.s32 v12, $0x1;
	v36 =	vmul.f32 $5.000000000e-01, v12  }
0x189: {  	v16 =	vsub.s32 $0x5F3759DF, v37;
	v14 =	vsub.s32 $0x5F3759DF, v35  }
0x18a: {  	v19 =	vmul.f32 v16, v38;
	v18 =	vmul.f32 v14, v36;
	_ =	sdelay $0x1  }
0x18b: {  	v19 =	vmul.f32 v16, v19;
	v18 =	vmul.f32 v14, v18;
	_ =	sdelay $0x1  }
0x18c: {  	v19 =	vsub.f32 $1.500000000e+00, v19;
	v18 =	vsub.f32 $1.500000000e+00, v18;
	_ =	sdelay $0x1  }
0x18d: {  	v16 =	vmul.f32 v16, v19;
	v14 =	vmul.f32 v14, v18;
	_ =	sdelay $0x1  }
0x18e: {  	v19 =	vmul.f32 v16, v38;
	v18 =	vmul.f32 v14, v36;
	_ =	sdelay $0x1  }
0x18f: {  	v19 =	vmul.f32 v19, v16;
	v18 =	vmul.f32 v18, v14;
	_ =	sdelay $0x1  }
0x190: {  	v19 =	vsub.f32 $1.500000000e+00, v19;
	v18 =	vsub.f32 $1.500000000e+00, v18;
	_ =	sdelay $0x1  }
0x191: {  	v16 =	vmul.f32 v19, v16;
	v14 =	vmul.f32 v18, v14;
	_ =	sdelay $0x1  }
0x192: {  	v17 =	vmul.f32 v16, v38;
	v15 =	vmul.f32 v14, v36;
	_ =	sdelay $0x1  }
0x193: {  	v39 =	vld [tilespmem:s0+$0x80];
	v17 =	vmul.f32 v17, v16;
	v15 =	vmul.f32 v15, v14  }
0x194: {  	v40 =	vld [tilespmem:s0+$0x280]  }
0x195: {  	v17 =	vsub.f32 $1.500000000e+00, v17;
	v15 =	vsub.f32 $1.500000000e+00, v15;
	_ =	sdelay $0x1  }
0x196: {  	v41 =	vmul.f32 v17, v16;
	v14 =	vmul.f32 v15, v14  }
0x197: {  	v7 =	vld.idx.msk [tilespmem:v7+s2+$0x0 ss:$0x1], $0xffff;
	v42 =	vmul.f32 v10, v11;
	v45 =	vmul.f32 v4, v11;
	vm0 =	veq.s32 v39, $0xF423F  }
0x198: {  	vm14 =	veq.s32 v40, $0xF423F;
	v44 =	vsub.f32 $1.000000000e+00, v41;
	v43 =	vsub.f32 $1.000000000e+00, v14  }
0x199: {  	v49 =	vmul.f32 v10, v4;
	v46 =	vsel vm14, $0x3F800000, v0;
	v18 =	vsel vm0, $0x3F800000, v0  }
0x19a: {  	v47 =	vmul.f32 v46, v44;
	v17 =	vmul.f32 v18, v43  }
0x19b: {  	v8 =	vadd.f32 v42, v8;
	v9 =	vadd.f32 v45, v9;
	v51 =	vmul.f32 v2, v6  }
0x19c: {  	v52 =	vmul.f32 v7, v6;
	v50 =	vadd.f32 v47, v41;
	v48 =	vadd.f32 v17, v14  }
0x19d: {  	v53 =	vmul.f32 v4, v4;
	v5 =	vadd.f32 v49, v5;
	v2 =	vmul.f32 v2, v7  }
0x19e: {  	v8 =	vadd.f32 v51, v8;
	v6 =	vadd.f32 v52, v9;
	v54 =	vmul.f32 v50, v48  }
0x19f: {  	v3 =	vadd.f32 v53, v3;
	v55 =	vmul.f32 v7, v7;
	v56 =	vmul.f32 v48, v48  }
0x1a0: {  	v2 =	vadd.f32 v2, v5;
	v57 =	vmul.f32 v48, v6;
	v58 =	vmul.f32 v54, v8  }
0x1a1: {  	v3 =	vadd.f32 v55, v3;
	v60 =	vmul.f32 v50, v50  }
0x1a2: {  	v2 =	vmul.f32 v50, v2;
	v59 =	vmul.f32 v56, v12;
	v5 =	vsub.f32 v57, v58;
	_ =	sdelay $0x1  }
0x1a3: {  	v61 =	vmul.f32 v60, v34;
	v3 =	vadd.f32 v59, v3;
	v2 =	vsub.f32 v5, v2;
	_ =	sdelay $0x1  }
0x1a4: {  	v3 =	vadd.f32 v61, v3;
	v2 =	vadd.f32 v2, v2;
	_ =	sdelay $0x1  }
0x1a5: {  	v2 =	vadd.f32 v2, v3;
	_ =	sdelay $0x1  }
0x1a6: {  	v2 =	vmax.f32 v2, $0.0e+00  }
0x1a7: {  	v3 =	vshra.s32 v2, $0x1;
	v62 =	vmul.f32 $5.000000000e-01, v2  }
0x1a8: {  	v3 =	vsub.s32 $0x5F3759DF, v3  }
0x1a9: {  	v63 =	vmul.f32 v3, v62;
	_ =	sdelay $0x1  }
0x1aa: {  	v5 =	vmul.f32 v3, v63;
	_ =	sdelay $0x1  }
0x1ab: {  	v5 =	vsub.f32 $1.500000000e+00, v5;
	_ =	sdelay $0x1  }
0x1ac: {  	v3 =	vmul.f32 v3, v5;
	_ =	sdelay $0x1  }
0x1ad: {  	v5 =	vmul.f32 v3, v62;
	_ =	sdelay $0x1  }
0x1ae: {  	v5 =	vmul.f32 v5, v3;
	_ =	sdelay $0x1  }
0x1af: {  	v5 =	vsub.f32 $1.500000000e+00, v5;
	_ =	sdelay $0x1  }
0x1b0: {  	v3 =	vmul.f32 v5, v3;
	_ =	sdelay $0x1  }
0x1b1: {  	v4 =	vmul.f32 v3, v62;
	_ =	sdelay $0x1  }
0x1b2: {  	v4 =	vmul.f32 v4, v3;
	_ =	sdelay $0x1  }
0x1b3: {  	v4 =	vsub.f32 $1.500000000e+00, v4  }
0x1b4: {  	s26 =	sadd.s32 $0x1, s26  }
0x1b5: {  	p0 =	sne.s32 s26, $0x8;
	v3 =	vmul.f32 v4, v3  }
.Ltmp12:
0x1b6: {  	_ = 	snop;
	(pc) =	sbr.rel @p0 .LBB2_24-.Ltmp12, $4  }
0x1b7: {  	v3 =	vmul.f32 v3, v2  }
0x1b8: {  	vm15 =	vgt.f32 v2, $0.0e+00  }
0x1b9: {  	v2 =	vnsel vm15, $0x0, v3  }
0x1ba: {  	s28 =	sadd.s32 $0x10, s28;
	s29 =	sadd.s32 $0x10, s29;
	s30 =	sadd.s32 $0x10, s30;
	[tilespmem:v1+s0+$0x0 ss:$0x1] =	vst.idx.msk $0xffff, v2  }
0x1bb: {  	s25 =	sadd.s32 $0x1, s25  }
0x1bc: {  	p0 =	sne.s32 s25, $0x4  }
.Ltmp13:
0x1bd: {  	_ = 	snop;
	(pc) =	sbr.rel @p0 .LBB2_6-.Ltmp13, $1  }
0x1be: {  	_ =	sdelay $0x3  }
0x1bf: {  	s0 =	simm.s32 $0x0;
	s2 =	simm.s32 $0x18300  }
0x1c0: {  	s0 =	sand.u32 $0x1F0, s0;
	v2 =	vld [tilespmem:s2+$0x0]  }
0x1c1: {  	v1 =	vld [tilespmem:s0+$0x18500];
	_ =	sdelay $0x4  }
0x1c2: {  	v1 =	vsub.f32 v2, v1;
	_ =	sdelay $0x1  }
0x1c3: {  	v1 =	vadd.f32 $1.000000000e+00, v1;
	_ =	sdelay $0x1  }
0x1c4: {  	s31 =	simm.s32 $0x10;
	s0 =	simm.s32 $0x18700;
	v1 =	vmax.f32 v1, $0.0e+00  }
0x1c5: {  	s2 =	sand.u32 $0x1F0, s31;
	[tilespmem:s0+$0x0] =	vst v1  }
0x1c6: {  	s9 =	simm.s32 $0x20;
	v1 =	vld [tilespmem:s2+$0x18500];
	s2 =	simm.s32 $0x18310  }
.LBB2_29:
0x1c7: {  	p0 =	sne.s32 s9, $0x1F0;
	v2 =	vld [tilespmem:s2+$0x0];
	_ =	sdelay $0x4  }
0x1c8: {  	v1 =	vsub.f32 v2, v1;
	_ =	sdelay $0x1  }
.Ltmp14:
0x1c9: {  	v1 =	vadd.f32 $1.000000000e+00, v1;
	(pc) =	sbr.rel @p0 .LBB2_29-.Ltmp14, $4  }
0x1ca: {  	_ = 	snop  }
0x1cb: {  	s0 =	sadd.s32 $0x10, s0;
	v1 =	vmax.f32 v1, $0.0e+00  }
0x1cc: {  	s10 =	sand.u32 $0x1F0, s9;
	[tilespmem:s0+$0x0] =	vst v1  }
0x1cd: {  	s9 =	sadd.s32 $0x10, s9;
	s2 =	sadd.s32 $0x10, s2;
	v1 =	vld [tilespmem:s10+$0x18500]  }
0x1ce: {  	v2 =	vld [tilespmem:s2+$0x0];
	_ =	sdelay $0x4  }
0x1cf: {  	v1 =	vsub.f32 v2, v1;
	_ =	sdelay $0x1  }
0x1d0: {  	v1 =	vadd.f32 $1.000000000e+00, v1  }
0x1d1: {  	s23 =	sadd.s32 $0x1, s23  }
0x1d2: {  	s0 =	sadd.s32 $0x10, s0;
	p0 =	sne.s32 s23, s13;
	v1 =	vmax.f32 v1, $0.0e+00  }
.Ltmp15:
0x1d3: {  	s31 =	simm.s32 $0x18700;
	[tilespmem:s0+$0x0] =	vst v1;
	(pc) =	sbr.rel @p0 .LBB2_1-.Ltmp15, $4  }
0x1d4: {  	[hbm4b:s12+s1] =	stream.linear.scatter [tilespmem:s31], [sflag:$0x3], $0x200, $0x38;
	[tilespmem:$0x18900] =	vst v63  }
0x1d5: {  	_ =	swait.ge [sflag:s14], $0x200  }
0x1d6: {  	[sflag:s14] =	ssyncset.done $0x0  }
0x1d7: {  	[sflag:s14] =	ssyncadd.s32 $0xFFFFFE00  }
0x1d8: {  	_ =	sfence.sel $0x180000  }
0x1d9: {  	[bflag:$0x0] =	sbarrier.arrive $0xFFFF  }
0x1da: {  	_ =	strace $0x90000047  }
0x1db: {  	s0 =	stileid.u32;
	[bflag:$0x2] =	sbarrier.arrive $0xFFFF  }
0x1dc: {  	p0 =	sne.s32 s0, $0x0;
	s0 =	rddreg [dreg:$0x2]  }
0x1dd: {  	s0 =	sadd.s32 @!p0 $0x100000, s0  }
0x1de: {  	[sflag:s0] =	ssyncadd.tile.s32 @!p0 $0x1;
	_ =	shalt  }
.Lfunc_end2:
_tile_overlayer_lowered:
.L_overlay_start_2:
0x1df: {  	(tag) =	ssettag $0x2  }
0x1e0: {  	s0 =	rddreg [dreg:$0x0];
	s2 =	stileid.u32  }
0x1e1: {  	s1 =	rddreg [dreg:$0x1];
	p0 =	sne.s32 s2, $0x0  }
0x1e2: {  	s3 =	rddreg [dreg:$0x2];
	[bflag:$0x3] =	sbarrier.arrive $0xFFFF;
	s2 =	simm.s32 @!p0 $0x1C03  }
0x1e3: {  	[timem:s3], [sflag:s2] =	dma.local @!p0 [hbm:s0], s1  }
0x1e4: {  	s0 =	simm.s32 @!p0 $0x3  }
0x1e5: {  	_ =	swait.ge @!p0 [sflag:s0], s1  }
0x1e6: {  	s1 =	ssub.s32 @!p0 $0x0, s1;
	[sflag:s0] =	ssyncset.done @!p0 $0x0  }
0x1e7: {  	[sflag:s0] =	ssyncadd.s32 @!p0 s1  }
0x1e8: {  	[bflag:$0x3] =	sbarrier.arrive $0xFFFF  }
0x1e9: {  	_ =	shalt  }

</sc_bundles>
